<compile_context>
chip_gen: v7x
topology: tpu7x:2x2x1
jax: 0.10.2.dev20260603
libtpu: 0.0.44.dev20260713+nightly
codegen_flags: <defaults>
</compile_context>

<pallas_src>
import functools

import jax
import jax.numpy as jnp
from jax import lax
from jax.experimental import pallas as pl
from jax.experimental.pallas import tpu as pltpu
from jax.experimental.pallas import tpu_sc as plsc

NC = 2
NS = 16
NW = NC * NS
LANES = 16
B = 128
H = 1
K = 8


def _fill_vec(ref, val, n):
    v = jnp.full((LANES,), val, dtype=ref.dtype)

    def body(i, c):
        ref[pl.ds(i * LANES, LANES)] = v
        return c

    lax.fori_loop(0, n // LANES, body, 0)


def _deg_kernel(n_pad, cpw, zs, dstc_hbm, degp_hbm, idx_a, idx_b, ones_v, z_v,
                deg_sh, la, lb, sa, sb):
    c = lax.axis_index("c")
    s = lax.axis_index("s")
    wid = s * NC + c

    _fill_vec(ones_v, 1.0, B)
    _fill_vec(z_v, 0.0, zs)
    pltpu.sync_copy(z_v, deg_sh.at[pl.ds(s * zs, zs)])
    plsc.subcore_barrier()

    gbase = wid * cpw

    def l_start(buf, g0, sem):
        pltpu.async_copy(dstc_hbm.at[pl.ds(g0, K)], buf, sem)

    def l_wait(buf, sem):
        pltpu.make_async_copy(dstc_hbm.at[pl.ds(gbase, K)], buf, sem).wait()

    def s_all(buf, sem):
        for j in range(K):
            pltpu.async_copy(ones_v, deg_sh.at[buf.at[j]], sem, add=True)

    def s_drain(buf, sem):
        for j in range(K):
            pltpu.make_async_copy(ones_v, deg_sh.at[buf.at[j]], sem).wait()

    nslab = cpw // K
    l_start(idx_a, gbase, la)
    l_start(idx_b, gbase + K, lb)
    l_wait(idx_a, la)
    s_all(idx_a, sa)

    def slab(t, carry):
        g0 = gbase + 2 * K * t
        s_drain(idx_a, sa)
        l_start(idx_a, g0, la)
        l_wait(idx_b, lb)
        s_all(idx_b, sb)
        s_drain(idx_b, sb)
        l_start(idx_b, g0 + K, lb)
        l_wait(idx_a, la)
        s_all(idx_a, sa)
        return carry

    lax.fori_loop(1, nslab // 2, slab, 0)
    l_wait(idx_b, lb)
    s_all(idx_b, sb)
    s_drain(idx_a, sa)
    s_drain(idx_b, sb)

    plsc.subcore_barrier()
    pltpu.sync_copy(deg_sh.at[pl.ds(s * zs, zs)],
                    degp_hbm.at[pl.ds(c * n_pad + s * zs, zs)])


def _edge_kernel(n_pad, cpw, zs, d, ei_hbm, xs_hbm, outp_hbm,
                 ei_a, ei_b, rows_a, rows_b, z_v, out_sh, ga, gb, sa, sb):
    c = lax.axis_index("c")
    s = lax.axis_index("s")

    with jax.named_scope("acc_zero"):
        def zrow(i, carry):
            def zcol(j, cc):
                z_v[i, pl.ds(j * LANES, LANES)] = jnp.zeros((LANES,),
                                                            jnp.float32)
                return cc

            lax.fori_loop(0, d // LANES, zcol, 0)
            return carry

        lax.fori_loop(0, 64, zrow, 0)

        def zcopy(t, carry):
            pltpu.sync_copy(z_v, out_sh.at[pl.ds(s * zs + t * 64, 64)])
            return carry

        lax.fori_loop(0, zs // 64, zcopy, 0)
        plsc.subcore_barrier()

    wid = s * NC + c
    gbase = wid * cpw

    def g_start(ei, rows, sem):
        for h in range(H):
            pltpu.async_copy(xs_hbm.at[ei.at[h, 0]],
                             rows.at[pl.ds(h * B, B)], sem)

    def g_wait(ei, rows, sem):
        for h in range(H):
            pltpu.make_async_copy(xs_hbm.at[ei.at[h, 0]],
                                  rows.at[pl.ds(h * B, B)], sem).wait()

    def s_start(ei, rows, sem):
        for h in range(H):
            pltpu.async_copy(rows.at[pl.ds(h * B, B)],
                             out_sh.at[ei.at[h, 1]], sem, add=True)

    def s_wait(ei, rows, sem):
        for h in range(H):
            pltpu.make_async_copy(rows.at[pl.ds(h * B, B)],
                                  out_sh.at[ei.at[h, 1]], sem).wait()

    with jax.named_scope("chunk_loop"):
        pltpu.sync_copy(ei_hbm.at[pl.ds(gbase, H)], ei_a)
        g_start(ei_a, rows_a, ga)
        pltpu.sync_copy(ei_hbm.at[pl.ds(gbase + H, H)], ei_b)
        g_start(ei_b, rows_b, gb)
        g_wait(ei_a, rows_a, ga)
        s_start(ei_a, rows_a, sa)

        def body(t, carry):
            g0 = gbase + 2 * H * t
            s_wait(ei_a, rows_a, sa)
            pltpu.sync_copy(ei_hbm.at[pl.ds(g0, H)], ei_a)
            g_start(ei_a, rows_a, ga)
            g_wait(ei_b, rows_b, gb)
            s_start(ei_b, rows_b, sb)
            s_wait(ei_b, rows_b, sb)
            pltpu.sync_copy(ei_hbm.at[pl.ds(g0 + H, H)], ei_b)
            g_start(ei_b, rows_b, gb)
            g_wait(ei_a, rows_a, ga)
            s_start(ei_a, rows_a, sa)
            return carry

        lax.fori_loop(1, cpw // (2 * H), body, 0)

        g_wait(ei_b, rows_b, gb)
        s_start(ei_b, rows_b, sb)
        s_wait(ei_a, rows_a, sa)
        s_wait(ei_b, rows_b, sb)

    with jax.named_scope("copyout"):
        plsc.subcore_barrier()
        pltpu.sync_copy(out_sh.at[pl.ds(s * zs, zs)],
                        outp_hbm.at[pl.ds(c * n_pad + s * zs, zs)])


def _dis_from_parts(dp_ref):
    deg = dp_ref[0, :] + dp_ref[1, :]
    return jnp.where(deg > 0, lax.rsqrt(jnp.maximum(deg, 1.0)), 0.0)


def _scale_kernel(dp_ref, x_ref, xs_ref):
    dis = _dis_from_parts(dp_ref)
    xs_ref[...] = x_ref[...] * dis[:, None]


def _combine_kernel(p_ref, dp_ref, o_ref):
    dis = _dis_from_parts(dp_ref)
    o_ref[...] = (p_ref[0] + p_ref[1]) * dis[:, None]


@jax.jit
def kernel(x, edge_index):
    n, d = x.shape
    e = edge_index.shape[1]

    n_pad = (n // (NS * LANES) + 1) * (NS * LANES)
    zs = n_pad // NS
    cpw = -(-e // (NW * B))
    cpw += (-cpw) % (2 * K)
    e_pad = cpw * B * NW

    pad_idx = n + (jnp.arange(e_pad - e, dtype=jnp.int32) % (n_pad - n))
    ei_p = jnp.concatenate(
        [edge_index.astype(jnp.int32),
         jnp.broadcast_to(pad_idx, (2, e_pad - e))], axis=1)
    ei = ei_p.reshape(2, NW * cpw, B).transpose(1, 0, 2)
    dstc = ei_p[1].reshape(NW * cpw, B)
    x_pad = jnp.zeros((n_pad, d), x.dtype).at[:n].set(x)

    mesh = plsc.VectorSubcoreMesh(core_axis_name="c", subcore_axis_name="s",
                                  num_cores=NC, num_subcores=NS)

    deg_parts = pl.kernel(
        functools.partial(_deg_kernel, n_pad, cpw, zs),
        out_type=jax.ShapeDtypeStruct((NC * n_pad,), jnp.float32),
        mesh=mesh,
        scratch_types=[
            pltpu.VMEM((K, B), jnp.int32),
            pltpu.VMEM((K, B), jnp.int32),
            pltpu.VMEM((B,), jnp.float32),
            pltpu.VMEM((zs,), jnp.float32),
            pltpu.VMEM_SHARED((n_pad,), jnp.float32),
            pltpu.SemaphoreType.DMA,
            pltpu.SemaphoreType.DMA,
            pltpu.SemaphoreType.DMA,
            pltpu.SemaphoreType.DMA,
        ],
    )(dstc)
    deg_parts = deg_parts.reshape(NC, n_pad)

    rb = 1024
    xs = pl.pallas_call(
        _scale_kernel,
        grid=(n_pad // rb,),
        in_specs=[
            pl.BlockSpec((NC, rb), lambda i: (0, i)),
            pl.BlockSpec((rb, d), lambda i: (i, 0)),
        ],
        out_specs=pl.BlockSpec((rb, d), lambda i: (i, 0)),
        out_shape=jax.ShapeDtypeStruct((n_pad, d), jnp.float32),
    )(deg_parts, x_pad)

    out_parts = pl.kernel(
        functools.partial(_edge_kernel, n_pad, cpw, zs, d),
        out_type=jax.ShapeDtypeStruct((NC * n_pad, d), jnp.float32),
        mesh=mesh,
        scratch_types=[
            pltpu.VMEM((H, 2, B), jnp.int32),
            pltpu.VMEM((H, 2, B), jnp.int32),
            pltpu.VMEM((H * B, d), jnp.float32),
            pltpu.VMEM((H * B, d), jnp.float32),
            pltpu.VMEM((64, d), jnp.float32),
            pltpu.VMEM_SHARED((n_pad, d), jnp.float32),
            pltpu.SemaphoreType.DMA,
            pltpu.SemaphoreType.DMA,
            pltpu.SemaphoreType.DMA,
            pltpu.SemaphoreType.DMA,
        ],
    )(ei, xs)
    out_parts = out_parts.reshape(NC, n_pad, d)

    out_pad = pl.pallas_call(
        _combine_kernel,
        grid=(n_pad // rb,),
        in_specs=[
            pl.BlockSpec((NC, rb, d), lambda i: (0, i, 0)),
            pl.BlockSpec((NC, rb), lambda i: (0, i)),
        ],
        out_specs=pl.BlockSpec((rb, d), lambda i: (i, 0)),
        out_shape=jax.ShapeDtypeStruct((n_pad, d), jnp.float32),
    )(out_parts, deg_parts)

    return out_pad[:n]

# --- scband reference (transcript-rebuilt; emitter-appended) ---
"""Pipeline reference for scband-light-gcnconv-936302871054 (READ-ONLY COPY).

The authoritative reference and input builder live on the scoring server;
editing this copy changes nothing except your own understanding.
"""

import jax, jax.numpy as jnp
import numpy as np

N = 10000
E = 320000
D = 128


def setup_inputs(seed: int = 0) -> dict:
    key = jax.random.key(seed)
    k1, k2 = jax.random.split(key)
    x = jax.random.normal(k1, (N, D), dtype=jnp.float32)
    edge_index = jax.random.randint(k2, (2, E), 0, N, dtype=jnp.int32)
    return {"x": x, "edge_index": edge_index}


def reference(x, edge_index):
    # LightGCN symmetric propagation: out[dst] += x[src] / sqrt(deg[src]*deg[dst])
    src = edge_index[0]
    dst = edge_index[1]
    n = x.shape[0]
    ones = jnp.ones((src.shape[0],), dtype=x.dtype)
    deg = jnp.zeros((n,), dtype=x.dtype).at[dst].add(ones)
    deg_inv_sqrt = jnp.where(deg > 0, jax.lax.rsqrt(jnp.maximum(deg, 1.0)), 0.0)
    norm = deg_inv_sqrt[src] * deg_inv_sqrt[dst]
    msgs = x[src] * norm[:, None]
    out = jnp.zeros_like(x).at[dst].add(msgs)
    return out

if __name__ == "__main__":
    import jax
    _d = setup_inputs()
    print(jax.jit(kernel)(*tuple(_d.values())))

</pallas_src>

<mosaic_0001>
#map = affine_map<(d0, d1) -> (0, 0)>
#map1 = affine_map<(d0, d1) -> (0)>
module attributes {stable_mosaic.version = 14 : i64} {
  func.func @_deg_kernel(%arg0: i32, %arg1: i32, %arg2: memref<2560x128xi32, #tpu.memory_space<hbm>>, %arg3: memref<20480xf32, #tpu.memory_space<hbm>>, %arg4: memref<8x128xi32, #tpu.memory_space<vmem>>, %arg5: memref<8x128xi32, #tpu.memory_space<vmem>>, %arg6: memref<128xf32, #tpu.memory_space<vmem>>, %arg7: memref<640xf32, #tpu.memory_space<vmem>>, %arg8: memref<10240xf32, #tpu.memory_space<vmem_shared>>, %arg9: memref<!tpu.dma_semaphore, #tpu.memory_space<semaphore_mem>>, %arg10: memref<!tpu.dma_semaphore, #tpu.memory_space<semaphore_mem>>, %arg11: memref<!tpu.dma_semaphore, #tpu.memory_space<semaphore_mem>>, %arg12: memref<!tpu.dma_semaphore, #tpu.memory_space<semaphore_mem>>) attributes {dimension_semantics = [#tpu.dimension_semantics<core_parallel>, #tpu.dimension_semantics<subcore_parallel>], iteration_bounds = array<i64: 2, 16>, scalar_prefetch = 0 : i64, scratch_operands = 9 : i64, tpu.core_type = #tpu.core_type<sc_vector_subcore>, window_params = [{transform_indices = #map}, {transform_indices = #map1}]} {
    %mul3A = arith.constant 2 : i32
    %mul3A_0 = arith.muli %arg1, %mul3A : i32
    %add3A = arith.addi %mul3A_0, %arg0 : i32
    %broadcast_in_dim3A = arith.constant 1.000000e+00 : f32
    %broadcast_in_dim3A_1 = vector.broadcast %broadcast_in_dim3A : f32 to vector<16xf32>
    %scan3A = arith.constant 0 : i32
    %scan3A_2 = arith.constant 0 : i32
    %scan3A_3 = arith.constant 8 : i32
    %scan3A_4 = arith.addi %scan3A_2, %scan3A_3 : i32
    %scan3A_5 = arith.constant 1 : i32
    scf.for %scan3A_241 = %scan3A_2 to %scan3A_4 step %scan3A_5  : i32 {
      %mul3A_242 = arith.constant 16 : i32
      %mul3A_243 = arith.muli %scan3A_241, %mul3A_242 : i32
      %swap3A = arith.index_cast %mul3A_243 : i32 to index
      %swap3A_244 = tpu.vector_load %arg6[%swap3A] {strides = array<i32>} : memref<128xf32, #tpu.memory_space<vmem>>, vector<16xf32>,
      %swap3A_245 = vector.shape_cast %swap3A_244 : vector<16xf32> to vector<16xf32>
      %swap3A_246 = vector.shape_cast %broadcast_in_dim3A_1 : vector<16xf32> to vector<16xf32>
      tpu.vector_store %arg6[%swap3A], %swap3A_246 {strides = array<i32>} : memref<128xf32, #tpu.memory_space<vmem>>, vector<16xf32>,
    }
    %scan3A_6 = arith.constant 8 : i32
    %broadcast_in_dim3A_7 = arith.constant 0.000000e+00 : f32
    %broadcast_in_dim3A_8 = vector.broadcast %broadcast_in_dim3A_7 : f32 to vector<16xf32>
    %scan3A_9 = arith.constant 0 : i32
    %scan3A_10 = arith.constant 0 : i32
    %scan3A_11 = arith.constant 40 : i32
    %scan3A_12 = arith.addi %scan3A_10, %scan3A_11 : i32
    %scan3A_13 = arith.constant 1 : i32
    scf.for %scan3A_241 = %scan3A_10 to %scan3A_12 step %scan3A_13  : i32 {
      %mul3A_242 = arith.constant 16 : i32
      %mul3A_243 = arith.muli %scan3A_241, %mul3A_242 : i32
      %swap3A = arith.index_cast %mul3A_243 : i32 to index
      %swap3A_244 = tpu.vector_load %arg7[%swap3A] {strides = array<i32>} : memref<640xf32, #tpu.memory_space<vmem>>, vector<16xf32>,
      %swap3A_245 = vector.shape_cast %swap3A_244 : vector<16xf32> to vector<16xf32>
      %swap3A_246 = vector.shape_cast %broadcast_in_dim3A_8 : vector<16xf32> to vector<16xf32>
      tpu.vector_store %arg7[%swap3A], %swap3A_246 {strides = array<i32>} : memref<640xf32, #tpu.memory_space<vmem>>, vector<16xf32>,
    }
    %scan3A_14 = arith.constant 40 : i32
    %mul3A_15 = arith.constant 640 : i32
    %mul3A_16 = arith.muli %arg1, %mul3A_15 : i32
    "tpu.region"() ({
      %run_scoped3A = tpu.sem_alloc : memref<!tpu.dma_semaphore, #tpu.memory_space<semaphore_mem>>
      %dma_start3A_241 = tpu.memref_slice %arg8[%mul3A_16] : memref<10240xf32, #tpu.memory_space<vmem_shared>> -> memref<640xf32, #tpu.memory_space<vmem_shared>>
      %dma_start3A_242 = tpu.memref_slice %arg8[%mul3A_16] : memref<10240xf32, #tpu.memory_space<vmem_shared>> -> memref<640xf32, #tpu.memory_space<vmem_shared>>
      tpu.enqueue_dma source(%arg7 : memref<640xf32, #tpu.memory_space<vmem>>) target(%dma_start3A_242 : memref<640xf32, #tpu.memory_space<vmem_shared>>) target_semaphore(%run_scoped3A : memref<!tpu.dma_semaphore, #tpu.memory_space<semaphore_mem>>)
      %dma_wait3A_243 = tpu.memref_slice %arg8[%mul3A_16] : memref<10240xf32, #tpu.memory_space<vmem_shared>> -> memref<640xf32, #tpu.memory_space<vmem_shared>>
      %dma_wait3A_244 = tpu.memref_slice %arg8[%mul3A_16] : memref<10240xf32, #tpu.memory_space<vmem_shared>> -> memref<640xf32, #tpu.memory_space<vmem_shared>>
      tpu.wait_dma2 semaphore(%run_scoped3A : memref<!tpu.dma_semaphore, #tpu.memory_space<semaphore_mem>>) src(%arg7 : memref<640xf32, #tpu.memory_space<vmem>>) dst(%dma_wait3A_244 : memref<640xf32, #tpu.memory_space<vmem_shared>>)
      tpu.yield
    }) : () -> ()
    %barrier3A = arith.constant 0 : index
    tpu.barrier barrier_id(%barrier3A)
    %mul3A_17 = arith.constant 80 : i32
    %mul3A_18 = arith.muli %add3A, %mul3A_17 : i32
    %dma_start3A = arith.constant 0 : i32
    %dma_start3A_19 = tpu.memref_slice %arg2[%mul3A_18, %dma_start3A] : memref<2560x128xi32, #tpu.memory_space<hbm>> -> memref<8x128xi32, #tpu.memory_space<hbm>>
    %dma_start3A_20 = arith.constant 0 : i32
    %dma_start3A_21 = tpu.memref_slice %arg2[%mul3A_18, %dma_start3A_20] : memref<2560x128xi32, #tpu.memory_space<hbm>> -> memref<8x128xi32, #tpu.memory_space<hbm>>
    tpu.enqueue_dma source(%dma_start3A_21 : memref<8x128xi32, #tpu.memory_space<hbm>>) target(%arg4 : memref<8x128xi32, #tpu.memory_space<vmem>>) target_semaphore(%arg9 : memref<!tpu.dma_semaphore, #tpu.memory_space<semaphore_mem>>)
    %add3A_22 = arith.constant 8 : i32
    %add3A_23 = arith.addi %mul3A_18, %add3A_22 : i32
    %dma_start3A_24 = arith.constant 0 : i32
    %dma_start3A_25 = tpu.memref_slice %arg2[%add3A_23, %dma_start3A_24] : memref<2560x128xi32, #tpu.memory_space<hbm>> -> memref<8x128xi32, #tpu.memory_space<hbm>>
    %dma_start3A_26 = arith.constant 0 : i32
    %dma_start3A_27 = tpu.memref_slice %arg2[%add3A_23, %dma_start3A_26] : memref<2560x128xi32, #tpu.memory_space<hbm>> -> memref<8x128xi32, #tpu.memory_space<hbm>>
    tpu.enqueue_dma source(%dma_start3A_27 : memref<8x128xi32, #tpu.memory_space<hbm>>) target(%arg5 : memref<8x128xi32, #tpu.memory_space<vmem>>) target_semaphore(%arg10 : memref<!tpu.dma_semaphore, #tpu.memory_space<semaphore_mem>>)
    %dma_wait3A = arith.constant 0 : i32
    %dma_wait3A_28 = tpu.memref_slice %arg2[%mul3A_18, %dma_wait3A] : memref<2560x128xi32, #tpu.memory_space<hbm>> -> memref<8x128xi32, #tpu.memory_space<hbm>>
    %dma_wait3A_29 = arith.constant 0 : i32
    %dma_wait3A_30 = tpu.memref_slice %arg2[%mul3A_18, %dma_wait3A_29] : memref<2560x128xi32, #tpu.memory_space<hbm>> -> memref<8x128xi32, #tpu.memory_space<hbm>>
    tpu.wait_dma2 semaphore(%arg9 : memref<!tpu.dma_semaphore, #tpu.memory_space<semaphore_mem>>) src(%dma_wait3A_30 : memref<8x128xi32, #tpu.memory_space<hbm>>) dst(%arg4 : memref<8x128xi32, #tpu.memory_space<vmem>>)
    %dma_start3A_31 = arith.constant 0 : i32
    %dma_start3A_32 = arith.constant 0 : i32
    %dma_start3A_33 = tpu.memref_slice %arg4[%dma_start3A_31, %dma_start3A_32] : memref<8x128xi32, #tpu.memory_space<vmem>> -> memref<1x128xi32, #tpu.memory_space<vmem>>
    %dma_start3A_34 = tpu.memref_squeeze %dma_start3A_33 : memref<1x128xi32, #tpu.memory_space<vmem>> -> memref<128xi32, #tpu.memory_space<vmem>>
    %dma_start3A_35 = arith.constant 0 : i32
    %dma_start3A_36 = tpu.memref_slice %arg8[%dma_start3A_35] : memref<10240xf32, #tpu.memory_space<vmem_shared>> -> memref<10240xf32, #tpu.memory_space<vmem_shared>>
    tpu.enqueue_indirect_dma source(%arg6 : memref<128xf32, #tpu.memory_space<vmem>>) target(%dma_start3A_36 : memref<10240xf32, #tpu.memory_space<vmem_shared>>) offsets(%dma_start3A_34 : memref<128xi32, #tpu.memory_space<vmem>>) semaphore(%arg11 : memref<!tpu.dma_semaphore, #tpu.memory_space<semaphore_mem>>) {add = true}
    %dma_start3A_37 = arith.constant 1 : i32
    %dma_start3A_38 = arith.constant 0 : i32
    %dma_start3A_39 = tpu.memref_slice %arg4[%dma_start3A_37, %dma_start3A_38] : memref<8x128xi32, #tpu.memory_space<vmem>> -> memref<1x128xi32, #tpu.memory_space<vmem>>
    %dma_start3A_40 = tpu.memref_squeeze %dma_start3A_39 : memref<1x128xi32, #tpu.memory_space<vmem>> -> memref<128xi32, #tpu.memory_space<vmem>>
    %dma_start3A_41 = arith.constant 0 : i32
    %dma_start3A_42 = tpu.memref_slice %arg8[%dma_start3A_41] : memref<10240xf32, #tpu.memory_space<vmem_shared>> -> memref<10240xf32, #tpu.memory_space<vmem_shared>>
    tpu.enqueue_indirect_dma source(%arg6 : memref<128xf32, #tpu.memory_space<vmem>>) target(%dma_start3A_42 : memref<10240xf32, #tpu.memory_space<vmem_shared>>) offsets(%dma_start3A_40 : memref<128xi32, #tpu.memory_space<vmem>>) semaphore(%arg11 : memref<!tpu.dma_semaphore, #tpu.memory_space<semaphore_mem>>) {add = true}
    %dma_start3A_43 = arith.constant 2 : i32
    %dma_start3A_44 = arith.constant 0 : i32
    %dma_start3A_45 = tpu.memref_slice %arg4[%dma_start3A_43, %dma_start3A_44] : memref<8x128xi32, #tpu.memory_space<vmem>> -> memref<1x128xi32, #tpu.memory_space<vmem>>
    %dma_start3A_46 = tpu.memref_squeeze %dma_start3A_45 : memref<1x128xi32, #tpu.memory_space<vmem>> -> memref<128xi32, #tpu.memory_space<vmem>>
    %dma_start3A_47 = arith.constant 0 : i32
    %dma_start3A_48 = tpu.memref_slice %arg8[%dma_start3A_47] : memref<10240xf32, #tpu.memory_space<vmem_shared>> -> memref<10240xf32, #tpu.memory_space<vmem_shared>>
    tpu.enqueue_indirect_dma source(%arg6 : memref<128xf32, #tpu.memory_space<vmem>>) target(%dma_start3A_48 : memref<10240xf32, #tpu.memory_space<vmem_shared>>) offsets(%dma_start3A_46 : memref<128xi32, #tpu.memory_space<vmem>>) semaphore(%arg11 : memref<!tpu.dma_semaphore, #tpu.memory_space<semaphore_mem>>) {add = true}
    %dma_start3A_49 = arith.constant 3 : i32
    %dma_start3A_50 = arith.constant 0 : i32
    %dma_start3A_51 = tpu.memref_slice %arg4[%dma_start3A_49, %dma_start3A_50] : memref<8x128xi32, #tpu.memory_space<vmem>> -> memref<1x128xi32, #tpu.memory_space<vmem>>
    %dma_start3A_52 = tpu.memref_squeeze %dma_start3A_51 : memref<1x128xi32, #tpu.memory_space<vmem>> -> memref<128xi32, #tpu.memory_space<vmem>>
    %dma_start3A_53 = arith.constant 0 : i32
    %dma_start3A_54 = tpu.memref_slice %arg8[%dma_start3A_53] : memref<10240xf32, #tpu.memory_space<vmem_shared>> -> memref<10240xf32, #tpu.memory_space<vmem_shared>>
    tpu.enqueue_indirect_dma source(%arg6 : memref<128xf32, #tpu.memory_space<vmem>>) target(%dma_start3A_54 : memref<10240xf32, #tpu.memory_space<vmem_shared>>) offsets(%dma_start3A_52 : memref<128xi32, #tpu.memory_space<vmem>>) semaphore(%arg11 : memref<!tpu.dma_semaphore, #tpu.memory_space<semaphore_mem>>) {add = true}
    %dma_start3A_55 = arith.constant 4 : i32
    %dma_start3A_56 = arith.constant 0 : i32
    %dma_start3A_57 = tpu.memref_slice %arg4[%dma_start3A_55, %dma_start3A_56] : memref<8x128xi32, #tpu.memory_space<vmem>> -> memref<1x128xi32, #tpu.memory_space<vmem>>
    %dma_start3A_58 = tpu.memref_squeeze %dma_start3A_57 : memref<1x128xi32, #tpu.memory_space<vmem>> -> memref<128xi32, #tpu.memory_space<vmem>>
    %dma_start3A_59 = arith.constant 0 : i32
    %dma_start3A_60 = tpu.memref_slice %arg8[%dma_start3A_59] : memref<10240xf32, #tpu.memory_space<vmem_shared>> -> memref<10240xf32, #tpu.memory_space<vmem_shared>>
    tpu.enqueue_indirect_dma source(%arg6 : memref<128xf32, #tpu.memory_space<vmem>>) target(%dma_start3A_60 : memref<10240xf32, #tpu.memory_space<vmem_shared>>) offsets(%dma_start3A_58 : memref<128xi32, #tpu.memory_space<vmem>>) semaphore(%arg11 : memref<!tpu.dma_semaphore, #tpu.memory_space<semaphore_mem>>) {add = true}
    %dma_start3A_61 = arith.constant 5 : i32
    %dma_start3A_62 = arith.constant 0 : i32
    %dma_start3A_63 = tpu.memref_slice %arg4[%dma_start3A_61, %dma_start3A_62] : memref<8x128xi32, #tpu.memory_space<vmem>> -> memref<1x128xi32, #tpu.memory_space<vmem>>
    %dma_start3A_64 = tpu.memref_squeeze %dma_start3A_63 : memref<1x128xi32, #tpu.memory_space<vmem>> -> memref<128xi32, #tpu.memory_space<vmem>>
    %dma_start3A_65 = arith.constant 0 : i32
    %dma_start3A_66 = tpu.memref_slice %arg8[%dma_start3A_65] : memref<10240xf32, #tpu.memory_space<vmem_shared>> -> memref<10240xf32, #tpu.memory_space<vmem_shared>>
    tpu.enqueue_indirect_dma source(%arg6 : memref<128xf32, #tpu.memory_space<vmem>>) target(%dma_start3A_66 : memref<10240xf32, #tpu.memory_space<vmem_shared>>) offsets(%dma_start3A_64 : memref<128xi32, #tpu.memory_space<vmem>>) semaphore(%arg11 : memref<!tpu.dma_semaphore, #tpu.memory_space<semaphore_mem>>) {add = true}
    %dma_start3A_67 = arith.constant 6 : i32
    %dma_start3A_68 = arith.constant 0 : i32
    %dma_start3A_69 = tpu.memref_slice %arg4[%dma_start3A_67, %dma_start3A_68] : memref<8x128xi32, #tpu.memory_space<vmem>> -> memref<1x128xi32, #tpu.memory_space<vmem>>
    %dma_start3A_70 = tpu.memref_squeeze %dma_start3A_69 : memref<1x128xi32, #tpu.memory_space<vmem>> -> memref<128xi32, #tpu.memory_space<vmem>>
    %dma_start3A_71 = arith.constant 0 : i32
    %dma_start3A_72 = tpu.memref_slice %arg8[%dma_start3A_71] : memref<10240xf32, #tpu.memory_space<vmem_shared>> -> memref<10240xf32, #tpu.memory_space<vmem_shared>>
    tpu.enqueue_indirect_dma source(%arg6 : memref<128xf32, #tpu.memory_space<vmem>>) target(%dma_start3A_72 : memref<10240xf32, #tpu.memory_space<vmem_shared>>) offsets(%dma_start3A_70 : memref<128xi32, #tpu.memory_space<vmem>>) semaphore(%arg11 : memref<!tpu.dma_semaphore, #tpu.memory_space<semaphore_mem>>) {add = true}
    %dma_start3A_73 = arith.constant 7 : i32
    %dma_start3A_74 = arith.constant 0 : i32
    %dma_start3A_75 = tpu.memref_slice %arg4[%dma_start3A_73, %dma_start3A_74] : memref<8x128xi32, #tpu.memory_space<vmem>> -> memref<1x128xi32, #tpu.memory_space<vmem>>
    %dma_start3A_76 = tpu.memref_squeeze %dma_start3A_75 : memref<1x128xi32, #tpu.memory_space<vmem>> -> memref<128xi32, #tpu.memory_space<vmem>>
    %dma_start3A_77 = arith.constant 0 : i32
    %dma_start3A_78 = tpu.memref_slice %arg8[%dma_start3A_77] : memref<10240xf32, #tpu.memory_space<vmem_shared>> -> memref<10240xf32, #tpu.memory_space<vmem_shared>>
    tpu.enqueue_indirect_dma source(%arg6 : memref<128xf32, #tpu.memory_space<vmem>>) target(%dma_start3A_78 : memref<10240xf32, #tpu.memory_space<vmem_shared>>) offsets(%dma_start3A_76 : memref<128xi32, #tpu.memory_space<vmem>>) semaphore(%arg11 : memref<!tpu.dma_semaphore, #tpu.memory_space<semaphore_mem>>) {add = true}
    %scan3A_79 = arith.constant 0 : i32
    %scan3A_80 = arith.constant 1 : i32
    %scan3A_81 = arith.constant 4 : i32
    %scan3A_82 = arith.addi %scan3A_80, %scan3A_81 : i32
    %scan3A_83 = arith.constant 1 : i32
    scf.for %scan3A_241 = %scan3A_80 to %scan3A_82 step %scan3A_83  : i32 {
      %mul3A_242 = arith.constant 16 : i32
      %mul3A_243 = arith.muli %mul3A_242, %scan3A_241 : i32
      %add3A_244 = arith.addi %mul3A_18, %mul3A_243 : i32
      %dma_wait3A_245 = arith.constant 0 : i32
      %dma_wait3A_246 = arith.constant 0 : i32
      %dma_wait3A_247 = tpu.memref_slice %arg4[%dma_wait3A_245, %dma_wait3A_246] : memref<8x128xi32, #tpu.memory_space<vmem>> -> memref<1x128xi32, #tpu.memory_space<vmem>>
      %dma_wait3A_248 = tpu.memref_squeeze %dma_wait3A_247 : memref<1x128xi32, #tpu.memory_space<vmem>> -> memref<128xi32, #tpu.memory_space<vmem>>
      %dma_wait3A_249 = arith.constant 0 : i32
      %dma_wait3A_250 = tpu.memref_slice %arg8[%dma_wait3A_249] : memref<10240xf32, #tpu.memory_space<vmem_shared>> -> memref<10240xf32, #tpu.memory_space<vmem_shared>>
      tpu.wait_indirect_dma semaphore(%arg11 : memref<!tpu.dma_semaphore, #tpu.memory_space<semaphore_mem>>) src(%arg6 : memref<128xf32, #tpu.memory_space<vmem>>) dst(%dma_wait3A_250 : memref<10240xf32, #tpu.memory_space<vmem_shared>>)
      %dma_wait3A_251 = arith.constant 1 : i32
      %dma_wait3A_252 = arith.constant 0 : i32
      %dma_wait3A_253 = tpu.memref_slice %arg4[%dma_wait3A_251, %dma_wait3A_252] : memref<8x128xi32, #tpu.memory_space<vmem>> -> memref<1x128xi32, #tpu.memory_space<vmem>>
      %dma_wait3A_254 = tpu.memref_squeeze %dma_wait3A_253 : memref<1x128xi32, #tpu.memory_space<vmem>> -> memref<128xi32, #tpu.memory_space<vmem>>
      %dma_wait3A_255 = arith.constant 0 : i32
      %dma_wait3A_256 = tpu.memref_slice %arg8[%dma_wait3A_255] : memref<10240xf32, #tpu.memory_space<vmem_shared>> -> memref<10240xf32, #tpu.memory_space<vmem_shared>>
      tpu.wait_indirect_dma semaphore(%arg11 : memref<!tpu.dma_semaphore, #tpu.memory_space<semaphore_mem>>) src(%arg6 : memref<128xf32, #tpu.memory_space<vmem>>) dst(%dma_wait3A_256 : memref<10240xf32, #tpu.memory_space<vmem_shared>>)
      %dma_wait3A_257 = arith.constant 2 : i32
      %dma_wait3A_258 = arith.constant 0 : i32
      %dma_wait3A_259 = tpu.memref_slice %arg4[%dma_wait3A_257, %dma_wait3A_258] : memref<8x128xi32, #tpu.memory_space<vmem>> -> memref<1x128xi32, #tpu.memory_space<vmem>>
      %dma_wait3A_260 = tpu.memref_squeeze %dma_wait3A_259 : memref<1x128xi32, #tpu.memory_space<vmem>> -> memref<128xi32, #tpu.memory_space<vmem>>
      %dma_wait3A_261 = arith.constant 0 : i32
      %dma_wait3A_262 = tpu.memref_slice %arg8[%dma_wait3A_261] : memref<10240xf32, #tpu.memory_space<vmem_shared>> -> memref<10240xf32, #tpu.memory_space<vmem_shared>>
      tpu.wait_indirect_dma semaphore(%arg11 : memref<!tpu.dma_semaphore, #tpu.memory_space<semaphore_mem>>) src(%arg6 : memref<128xf32, #tpu.memory_space<vmem>>) dst(%dma_wait3A_262 : memref<10240xf32, #tpu.memory_space<vmem_shared>>)
      %dma_wait3A_263 = arith.constant 3 : i32
      %dma_wait3A_264 = arith.constant 0 : i32
      %dma_wait3A_265 = tpu.memref_slice %arg4[%dma_wait3A_263, %dma_wait3A_264] : memref<8x128xi32, #tpu.memory_space<vmem>> -> memref<1x128xi32, #tpu.memory_space<vmem>>
      %dma_wait3A_266 = tpu.memref_squeeze %dma_wait3A_265 : memref<1x128xi32, #tpu.memory_space<vmem>> -> memref<128xi32, #tpu.memory_space<vmem>>
      %dma_wait3A_267 = arith.constant 0 : i32
      %dma_wait3A_268 = tpu.memref_slice %arg8[%dma_wait3A_267] : memref<10240xf32, #tpu.memory_space<vmem_shared>> -> memref<10240xf32, #tpu.memory_space<vmem_shared>>
      tpu.wait_indirect_dma semaphore(%arg11 : memref<!tpu.dma_semaphore, #tpu.memory_space<semaphore_mem>>) src(%arg6 : memref<128xf32, #tpu.memory_space<vmem>>) dst(%dma_wait3A_268 : memref<10240xf32, #tpu.memory_space<vmem_shared>>)
      %dma_wait3A_269 = arith.constant 4 : i32
      %dma_wait3A_270 = arith.constant 0 : i32
      %dma_wait3A_271 = tpu.memref_slice %arg4[%dma_wait3A_269, %dma_wait3A_270] : memref<8x128xi32, #tpu.memory_space<vmem>> -> memref<1x128xi32, #tpu.memory_space<vmem>>
      %dma_wait3A_272 = tpu.memref_squeeze %dma_wait3A_271 : memref<1x128xi32, #tpu.memory_space<vmem>> -> memref<128xi32, #tpu.memory_space<vmem>>
      %dma_wait3A_273 = arith.constant 0 : i32
      %dma_wait3A_274 = tpu.memref_slice %arg8[%dma_wait3A_273] : memref<10240xf32, #tpu.memory_space<vmem_shared>> -> memref<10240xf32, #tpu.memory_space<vmem_shared>>
      tpu.wait_indirect_dma semaphore(%arg11 : memref<!tpu.dma_semaphore, #tpu.memory_space<semaphore_mem>>) src(%arg6 : memref<128xf32, #tpu.memory_space<vmem>>) dst(%dma_wait3A_274 : memref<10240xf32, #tpu.memory_space<vmem_shared>>)
      %dma_wait3A_275 = arith.constant 5 : i32
      %dma_wait3A_276 = arith.constant 0 : i32
      %dma_wait3A_277 = tpu.memref_slice %arg4[%dma_wait3A_275, %dma_wait3A_276] : memref<8x128xi32, #tpu.memory_space<vmem>> -> memref<1x128xi32, #tpu.memory_space<vmem>>
      %dma_wait3A_278 = tpu.memref_squeeze %dma_wait3A_277 : memref<1x128xi32, #tpu.memory_space<vmem>> -> memref<128xi32, #tpu.memory_space<vmem>>
      %dma_wait3A_279 = arith.constant 0 : i32
      %dma_wait3A_280 = tpu.memref_slice %arg8[%dma_wait3A_279] : memref<10240xf32, #tpu.memory_space<vmem_shared>> -> memref<10240xf32, #tpu.memory_space<vmem_shared>>
      tpu.wait_indirect_dma semaphore(%arg11 : memref<!tpu.dma_semaphore, #tpu.memory_space<semaphore_mem>>) src(%arg6 : memref<128xf32, #tpu.memory_space<vmem>>) dst(%dma_wait3A_280 : memref<10240xf32, #tpu.memory_space<vmem_shared>>)
      %dma_wait3A_281 = arith.constant 6 : i32
      %dma_wait3A_282 = arith.constant 0 : i32
      %dma_wait3A_283 = tpu.memref_slice %arg4[%dma_wait3A_281, %dma_wait3A_282] : memref<8x128xi32, #tpu.memory_space<vmem>> -> memref<1x128xi32, #tpu.memory_space<vmem>>
      %dma_wait3A_284 = tpu.memref_squeeze %dma_wait3A_283 : memref<1x128xi32, #tpu.memory_space<vmem>> -> memref<128xi32, #tpu.memory_space<vmem>>
      %dma_wait3A_285 = arith.constant 0 : i32
      %dma_wait3A_286 = tpu.memref_slice %arg8[%dma_wait3A_285] : memref<10240xf32, #tpu.memory_space<vmem_shared>> -> memref<10240xf32, #tpu.memory_space<vmem_shared>>
      tpu.wait_indirect_dma semaphore(%arg11 : memref<!tpu.dma_semaphore, #tpu.memory_space<semaphore_mem>>) src(%arg6 : memref<128xf32, #tpu.memory_space<vmem>>) dst(%dma_wait3A_286 : memref<10240xf32, #tpu.memory_space<vmem_shared>>)
      %dma_wait3A_287 = arith.constant 7 : i32
      %dma_wait3A_288 = arith.constant 0 : i32
      %dma_wait3A_289 = tpu.memref_slice %arg4[%dma_wait3A_287, %dma_wait3A_288] : memref<8x128xi32, #tpu.memory_space<vmem>> -> memref<1x128xi32, #tpu.memory_space<vmem>>
      %dma_wait3A_290 = tpu.memref_squeeze %dma_wait3A_289 : memref<1x128xi32, #tpu.memory_space<vmem>> -> memref<128xi32, #tpu.memory_space<vmem>>
      %dma_wait3A_291 = arith.constant 0 : i32
      %dma_wait3A_292 = tpu.memref_slice %arg8[%dma_wait3A_291] : memref<10240xf32, #tpu.memory_space<vmem_shared>> -> memref<10240xf32, #tpu.memory_space<vmem_shared>>
      tpu.wait_indirect_dma semaphore(%arg11 : memref<!tpu.dma_semaphore, #tpu.memory_space<semaphore_mem>>) src(%arg6 : memref<128xf32, #tpu.memory_space<vmem>>) dst(%dma_wait3A_292 : memref<10240xf32, #tpu.memory_space<vmem_shared>>)
      %dma_start3A_293 = arith.constant 0 : i32
      %dma_start3A_294 = tpu.memref_slice %arg2[%add3A_244, %dma_start3A_293] : memref<2560x128xi32, #tpu.memory_space<hbm>> -> memref<8x128xi32, #tpu.memory_space<hbm>>
      %dma_start3A_295 = arith.constant 0 : i32
      %dma_start3A_296 = tpu.memref_slice %arg2[%add3A_244, %dma_start3A_295] : memref<2560x128xi32, #tpu.memory_space<hbm>> -> memref<8x128xi32, #tpu.memory_space<hbm>>
      tpu.enqueue_dma source(%dma_start3A_296 : memref<8x128xi32, #tpu.memory_space<hbm>>) target(%arg4 : memref<8x128xi32, #tpu.memory_space<vmem>>) target_semaphore(%arg9 : memref<!tpu.dma_semaphore, #tpu.memory_space<semaphore_mem>>)
      %dma_wait3A_297 = arith.constant 0 : i32
      %dma_wait3A_298 = tpu.memref_slice %arg2[%mul3A_18, %dma_wait3A_297] : memref<2560x128xi32, #tpu.memory_space<hbm>> -> memref<8x128xi32, #tpu.memory_space<hbm>>
      %dma_wait3A_299 = arith.constant 0 : i32
      %dma_wait3A_300 = tpu.memref_slice %arg2[%mul3A_18, %dma_wait3A_299] : memref<2560x128xi32, #tpu.memory_space<hbm>> -> memref<8x128xi32, #tpu.memory_space<hbm>>
      tpu.wait_dma2 semaphore(%arg10 : memref<!tpu.dma_semaphore, #tpu.memory_space<semaphore_mem>>) src(%dma_wait3A_300 : memref<8x128xi32, #tpu.memory_space<hbm>>) dst(%arg5 : memref<8x128xi32, #tpu.memory_space<vmem>>)
      %dma_start3A_301 = arith.constant 0 : i32
      %dma_start3A_302 = arith.constant 0 : i32
      %dma_start3A_303 = tpu.memref_slice %arg5[%dma_start3A_301, %dma_start3A_302] : memref<8x128xi32, #tpu.memory_space<vmem>> -> memref<1x128xi32, #tpu.memory_space<vmem>>
      %dma_start3A_304 = tpu.memref_squeeze %dma_start3A_303 : memref<1x128xi32, #tpu.memory_space<vmem>> -> memref<128xi32, #tpu.memory_space<vmem>>
      %dma_start3A_305 = arith.constant 0 : i32
      %dma_start3A_306 = tpu.memref_slice %arg8[%dma_start3A_305] : memref<10240xf32, #tpu.memory_space<vmem_shared>> -> memref<10240xf32, #tpu.memory_space<vmem_shared>>
      tpu.enqueue_indirect_dma source(%arg6 : memref<128xf32, #tpu.memory_space<vmem>>) target(%dma_start3A_306 : memref<10240xf32, #tpu.memory_space<vmem_shared>>) offsets(%dma_start3A_304 : memref<128xi32, #tpu.memory_space<vmem>>) semaphore(%arg12 : memref<!tpu.dma_semaphore, #tpu.memory_space<semaphore_mem>>) {add = true}
      %dma_start3A_307 = arith.constant 1 : i32
      %dma_start3A_308 = arith.constant 0 : i32
      %dma_start3A_309 = tpu.memref_slice %arg5[%dma_start3A_307, %dma_start3A_308] : memref<8x128xi32, #tpu.memory_space<vmem>> -> memref<1x128xi32, #tpu.memory_space<vmem>>
      %dma_start3A_310 = tpu.memref_squeeze %dma_start3A_309 : memref<1x128xi32, #tpu.memory_space<vmem>> -> memref<128xi32, #tpu.memory_space<vmem>>
      %dma_start3A_311 = arith.constant 0 : i32
      %dma_start3A_312 = tpu.memref_slice %arg8[%dma_start3A_311] : memref<10240xf32, #tpu.memory_space<vmem_shared>> -> memref<10240xf32, #tpu.memory_space<vmem_shared>>
      tpu.enqueue_indirect_dma source(%arg6 : memref<128xf32, #tpu.memory_space<vmem>>) target(%dma_start3A_312 : memref<10240xf32, #tpu.memory_space<vmem_shared>>) offsets(%dma_start3A_310 : memref<128xi32, #tpu.memory_space<vmem>>) semaphore(%arg12 : memref<!tpu.dma_semaphore, #tpu.memory_space<semaphore_mem>>) {add = true}
      %dma_start3A_313 = arith.constant 2 : i32
      %dma_start3A_314 = arith.constant 0 : i32
      %dma_start3A_315 = tpu.memref_slice %arg5[%dma_start3A_313, %dma_start3A_314] : memref<8x128xi32, #tpu.memory_space<vmem>> -> memref<1x128xi32, #tpu.memory_space<vmem>>
      %dma_start3A_316 = tpu.memref_squeeze %dma_start3A_315 : memref<1x128xi32, #tpu.memory_space<vmem>> -> memref<128xi32, #tpu.memory_space<vmem>>
      %dma_start3A_317 = arith.constant 0 : i32
      %dma_start3A_318 = tpu.memref_slice %arg8[%dma_start3A_317] : memref<10240xf32, #tpu.memory_space<vmem_shared>> -> memref<10240xf32, #tpu.memory_space<vmem_shared>>
      tpu.enqueue_indirect_dma source(%arg6 : memref<128xf32, #tpu.memory_space<vmem>>) target(%dma_start3A_318 : memref<10240xf32, #tpu.memory_space<vmem_shared>>) offsets(%dma_start3A_316 : memref<128xi32, #tpu.memory_space<vmem>>) semaphore(%arg12 : memref<!tpu.dma_semaphore, #tpu.memory_space<semaphore_mem>>) {add = true}
      %dma_start3A_319 = arith.constant 3 : i32
      %dma_start3A_320 = arith.constant 0 : i32
      %dma_start3A_321 = tpu.memref_slice %arg5[%dma_start3A_319, %dma_start3A_320] : memref<8x128xi32, #tpu.memory_space<vmem>> -> memref<1x128xi32, #tpu.memory_space<vmem>>
      %dma_start3A_322 = tpu.memref_squeeze %dma_start3A_321 : memref<1x128xi32, #tpu.memory_space<vmem>> -> memref<128xi32, #tpu.memory_space<vmem>>
      %dma_start3A_323 = arith.constant 0 : i32
      %dma_start3A_324 = tpu.memref_slice %arg8[%dma_start3A_323] : memref<10240xf32, #tpu.memory_space<vmem_shared>> -> memref<10240xf32, #tpu.memory_space<vmem_shared>>
      tpu.enqueue_indirect_dma source(%arg6 : memref<128xf32, #tpu.memory_space<vmem>>) target(%dma_start3A_324 : memref<10240xf32, #tpu.memory_space<vmem_shared>>) offsets(%dma_start3A_322 : memref<128xi32, #tpu.memory_space<vmem>>) semaphore(%arg12 : memref<!tpu.dma_semaphore, #tpu.memory_space<semaphore_mem>>) {add = true}
      %dma_start3A_325 = arith.constant 4 : i32
      %dma_start3A_326 = arith.constant 0 : i32
      %dma_start3A_327 = tpu.memref_slice %arg5[%dma_start3A_325, %dma_start3A_326] : memref<8x128xi32, #tpu.memory_space<vmem>> -> memref<1x128xi32, #tpu.memory_space<vmem>>
      %dma_start3A_328 = tpu.memref_squeeze %dma_start3A_327 : memref<1x128xi32, #tpu.memory_space<vmem>> -> memref<128xi32, #tpu.memory_space<vmem>>
      %dma_start3A_329 = arith.constant 0 : i32
      %dma_start3A_330 = tpu.memref_slice %arg8[%dma_start3A_329] : memref<10240xf32, #tpu.memory_space<vmem_shared>> -> memref<10240xf32, #tpu.memory_space<vmem_shared>>
      tpu.enqueue_indirect_dma source(%arg6 : memref<128xf32, #tpu.memory_space<vmem>>) target(%dma_start3A_330 : memref<10240xf32, #tpu.memory_space<vmem_shared>>) offsets(%dma_start3A_328 : memref<128xi32, #tpu.memory_space<vmem>>) semaphore(%arg12 : memref<!tpu.dma_semaphore, #tpu.memory_space<semaphore_mem>>) {add = true}
      %dma_start3A_331 = arith.constant 5 : i32
      %dma_start3A_332 = arith.constant 0 : i32
      %dma_start3A_333 = tpu.memref_slice %arg5[%dma_start3A_331, %dma_start3A_332] : memref<8x128xi32, #tpu.memory_space<vmem>> -> memref<1x128xi32, #tpu.memory_space<vmem>>
      %dma_start3A_334 = tpu.memref_squeeze %dma_start3A_333 : memref<1x128xi32, #tpu.memory_space<vmem>> -> memref<128xi32, #tpu.memory_space<vmem>>
      %dma_start3A_335 = arith.constant 0 : i32
      %dma_start3A_336 = tpu.memref_slice %arg8[%dma_start3A_335] : memref<10240xf32, #tpu.memory_space<vmem_shared>> -> memref<10240xf32, #tpu.memory_space<vmem_shared>>
      tpu.enqueue_indirect_dma source(%arg6 : memref<128xf32, #tpu.memory_space<vmem>>) target(%dma_start3A_336 : memref<10240xf32, #tpu.memory_space<vmem_shared>>) offsets(%dma_start3A_334 : memref<128xi32, #tpu.memory_space<vmem>>) semaphore(%arg12 : memref<!tpu.dma_semaphore, #tpu.memory_space<semaphore_mem>>) {add = true}
      %dma_start3A_337 = arith.constant 6 : i32
      %dma_start3A_338 = arith.constant 0 : i32
      %dma_start3A_339 = tpu.memref_slice %arg5[%dma_start3A_337, %dma_start3A_338] : memref<8x128xi32, #tpu.memory_space<vmem>> -> memref<1x128xi32, #tpu.memory_space<vmem>>
      %dma_start3A_340 = tpu.memref_squeeze %dma_start3A_339 : memref<1x128xi32, #tpu.memory_space<vmem>> -> memref<128xi32, #tpu.memory_space<vmem>>
      %dma_start3A_341 = arith.constant 0 : i32
      %dma_start3A_342 = tpu.memref_slice %arg8[%dma_start3A_341] : memref<10240xf32, #tpu.memory_space<vmem_shared>> -> memref<10240xf32, #tpu.memory_space<vmem_shared>>
      tpu.enqueue_indirect_dma source(%arg6 : memref<128xf32, #tpu.memory_space<vmem>>) target(%dma_start3A_342 : memref<10240xf32, #tpu.memory_space<vmem_shared>>) offsets(%dma_start3A_340 : memref<128xi32, #tpu.memory_space<vmem>>) semaphore(%arg12 : memref<!tpu.dma_semaphore, #tpu.memory_space<semaphore_mem>>) {add = true}
      %dma_start3A_343 = arith.constant 7 : i32
      %dma_start3A_344 = arith.constant 0 : i32
      %dma_start3A_345 = tpu.memref_slice %arg5[%dma_start3A_343, %dma_start3A_344] : memref<8x128xi32, #tpu.memory_space<vmem>> -> memref<1x128xi32, #tpu.memory_space<vmem>>
      %dma_start3A_346 = tpu.memref_squeeze %dma_start3A_345 : memref<1x128xi32, #tpu.memory_space<vmem>> -> memref<128xi32, #tpu.memory_space<vmem>>
      %dma_start3A_347 = arith.constant 0 : i32
      %dma_start3A_348 = tpu.memref_slice %arg8[%dma_start3A_347] : memref<10240xf32, #tpu.memory_space<vmem_shared>> -> memref<10240xf32, #tpu.memory_space<vmem_shared>>
      tpu.enqueue_indirect_dma source(%arg6 : memref<128xf32, #tpu.memory_space<vmem>>) target(%dma_start3A_348 : memref<10240xf32, #tpu.memory_space<vmem_shared>>) offsets(%dma_start3A_346 : memref<128xi32, #tpu.memory_space<vmem>>) semaphore(%arg12 : memref<!tpu.dma_semaphore, #tpu.memory_space<semaphore_mem>>) {add = true}
      %dma_wait3A_349 = arith.constant 0 : i32
      %dma_wait3A_350 = arith.constant 0 : i32
      %dma_wait3A_351 = tpu.memref_slice %arg5[%dma_wait3A_349, %dma_wait3A_350] : memref<8x128xi32, #tpu.memory_space<vmem>> -> memref<1x128xi32, #tpu.memory_space<vmem>>
      %dma_wait3A_352 = tpu.memref_squeeze %dma_wait3A_351 : memref<1x128xi32, #tpu.memory_space<vmem>> -> memref<128xi32, #tpu.memory_space<vmem>>
      %dma_wait3A_353 = arith.constant 0 : i32
      %dma_wait3A_354 = tpu.memref_slice %arg8[%dma_wait3A_353] : memref<10240xf32, #tpu.memory_space<vmem_shared>> -> memref<10240xf32, #tpu.memory_space<vmem_shared>>
      tpu.wait_indirect_dma semaphore(%arg12 : memref<!tpu.dma_semaphore, #tpu.memory_space<semaphore_mem>>) src(%arg6 : memref<128xf32, #tpu.memory_space<vmem>>) dst(%dma_wait3A_354 : memref<10240xf32, #tpu.memory_space<vmem_shared>>)
      %dma_wait3A_355 = arith.constant 1 : i32
      %dma_wait3A_356 = arith.constant 0 : i32
      %dma_wait3A_357 = tpu.memref_slice %arg5[%dma_wait3A_355, %dma_wait3A_356] : memref<8x128xi32, #tpu.memory_space<vmem>> -> memref<1x128xi32, #tpu.memory_space<vmem>>
      %dma_wait3A_358 = tpu.memref_squeeze %dma_wait3A_357 : memref<1x128xi32, #tpu.memory_space<vmem>> -> memref<128xi32, #tpu.memory_space<vmem>>
      %dma_wait3A_359 = arith.constant 0 : i32
      %dma_wait3A_360 = tpu.memref_slice %arg8[%dma_wait3A_359] : memref<10240xf32, #tpu.memory_space<vmem_shared>> -> memref<10240xf32, #tpu.memory_space<vmem_shared>>
      tpu.wait_indirect_dma semaphore(%arg12 : memref<!tpu.dma_semaphore, #tpu.memory_space<semaphore_mem>>) src(%arg6 : memref<128xf32, #tpu.memory_space<vmem>>) dst(%dma_wait3A_360 : memref<10240xf32, #tpu.memory_space<vmem_shared>>)
      %dma_wait3A_361 = arith.constant 2 : i32
      %dma_wait3A_362 = arith.constant 0 : i32
      %dma_wait3A_363 = tpu.memref_slice %arg5[%dma_wait3A_361, %dma_wait3A_362] : memref<8x128xi32, #tpu.memory_space<vmem>> -> memref<1x128xi32, #tpu.memory_space<vmem>>
      %dma_wait3A_364 = tpu.memref_squeeze %dma_wait3A_363 : memref<1x128xi32, #tpu.memory_space<vmem>> -> memref<128xi32, #tpu.memory_space<vmem>>
      %dma_wait3A_365 = arith.constant 0 : i32
      %dma_wait3A_366 = tpu.memref_slice %arg8[%dma_wait3A_365] : memref<10240xf32, #tpu.memory_space<vmem_shared>> -> memref<10240xf32, #tpu.memory_space<vmem_shared>>
      tpu.wait_indirect_dma semaphore(%arg12 : memref<!tpu.dma_semaphore, #tpu.memory_space<semaphore_mem>>) src(%arg6 : memref<128xf32, #tpu.memory_space<vmem>>) dst(%dma_wait3A_366 : memref<10240xf32, #tpu.memory_space<vmem_shared>>)
      %dma_wait3A_367 = arith.constant 3 : i32
      %dma_wait3A_368 = arith.constant 0 : i32
      %dma_wait3A_369 = tpu.memref_slice %arg5[%dma_wait3A_367, %dma_wait3A_368] : memref<8x128xi32, #tpu.memory_space<vmem>> -> memref<1x128xi32, #tpu.memory_space<vmem>>
      %dma_wait3A_370 = tpu.memref_squeeze %dma_wait3A_369 : memref<1x128xi32, #tpu.memory_space<vmem>> -> memref<128xi32, #tpu.memory_space<vmem>>
      %dma_wait3A_371 = arith.constant 0 : i32
      %dma_wait3A_372 = tpu.memref_slice %arg8[%dma_wait3A_371] : memref<10240xf32, #tpu.memory_space<vmem_shared>> -> memref<10240xf32, #tpu.memory_space<vmem_shared>>
      tpu.wait_indirect_dma semaphore(%arg12 : memref<!tpu.dma_semaphore, #tpu.memory_space<semaphore_mem>>) src(%arg6 : memref<128xf32, #tpu.memory_space<vmem>>) dst(%dma_wait3A_372 : memref<10240xf32, #tpu.memory_space<vmem_shared>>)
      %dma_wait3A_373 = arith.constant 4 : i32
      %dma_wait3A_374 = arith.constant 0 : i32
      %dma_wait3A_375 = tpu.memref_slice %arg5[%dma_wait3A_373, %dma_wait3A_374] : memref<8x128xi32, #tpu.memory_space<vmem>> -> memref<1x128xi32, #tpu.memory_space<vmem>>
      %dma_wait3A_376 = tpu.memref_squeeze %dma_wait3A_375 : memref<1x128xi32, #tpu.memory_space<vmem>> -> memref<128xi32, #tpu.memory_space<vmem>>
      %dma_wait3A_377 = arith.constant 0 : i32
      %dma_wait3A_378 = tpu.memref_slice %arg8[%dma_wait3A_377] : memref<10240xf32, #tpu.memory_space<vmem_shared>> -> memref<10240xf32, #tpu.memory_space<vmem_shared>>
      tpu.wait_indirect_dma semaphore(%arg12 : memref<!tpu.dma_semaphore, #tpu.memory_space<semaphore_mem>>) src(%arg6 : memref<128xf32, #tpu.memory_space<vmem>>) dst(%dma_wait3A_378 : memref<10240xf32, #tpu.memory_space<vmem_shared>>)
      %dma_wait3A_379 = arith.constant 5 : i32
      %dma_wait3A_380 = arith.constant 0 : i32
      %dma_wait3A_381 = tpu.memref_slice %arg5[%dma_wait3A_379, %dma_wait3A_380] : memref<8x128xi32, #tpu.memory_space<vmem>> -> memref<1x128xi32, #tpu.memory_space<vmem>>
      %dma_wait3A_382 = tpu.memref_squeeze %dma_wait3A_381 : memref<1x128xi32, #tpu.memory_space<vmem>> -> memref<128xi32, #tpu.memory_space<vmem>>
      %dma_wait3A_383 = arith.constant 0 : i32
      %dma_wait3A_384 = tpu.memref_slice %arg8[%dma_wait3A_383] : memref<10240xf32, #tpu.memory_space<vmem_shared>> -> memref<10240xf32, #tpu.memory_space<vmem_shared>>
      tpu.wait_indirect_dma semaphore(%arg12 : memref<!tpu.dma_semaphore, #tpu.memory_space<semaphore_mem>>) src(%arg6 : memref<128xf32, #tpu.memory_space<vmem>>) dst(%dma_wait3A_384 : memref<10240xf32, #tpu.memory_space<vmem_shared>>)
      %dma_wait3A_385 = arith.constant 6 : i32
      %dma_wait3A_386 = arith.constant 0 : i32
      %dma_wait3A_387 = tpu.memref_slice %arg5[%dma_wait3A_385, %dma_wait3A_386] : memref<8x128xi32, #tpu.memory_space<vmem>> -> memref<1x128xi32, #tpu.memory_space<vmem>>
      %dma_wait3A_388 = tpu.memref_squeeze %dma_wait3A_387 : memref<1x128xi32, #tpu.memory_space<vmem>> -> memref<128xi32, #tpu.memory_space<vmem>>
      %dma_wait3A_389 = arith.constant 0 : i32
      %dma_wait3A_390 = tpu.memref_slice %arg8[%dma_wait3A_389] : memref<10240xf32, #tpu.memory_space<vmem_shared>> -> memref<10240xf32, #tpu.memory_space<vmem_shared>>
      tpu.wait_indirect_dma semaphore(%arg12 : memref<!tpu.dma_semaphore, #tpu.memory_space<semaphore_mem>>) src(%arg6 : memref<128xf32, #tpu.memory_space<vmem>>) dst(%dma_wait3A_390 : memref<10240xf32, #tpu.memory_space<vmem_shared>>)
      %dma_wait3A_391 = arith.constant 7 : i32
      %dma_wait3A_392 = arith.constant 0 : i32
      %dma_wait3A_393 = tpu.memref_slice %arg5[%dma_wait3A_391, %dma_wait3A_392] : memref<8x128xi32, #tpu.memory_space<vmem>> -> memref<1x128xi32, #tpu.memory_space<vmem>>
      %dma_wait3A_394 = tpu.memref_squeeze %dma_wait3A_393 : memref<1x128xi32, #tpu.memory_space<vmem>> -> memref<128xi32, #tpu.memory_space<vmem>>
      %dma_wait3A_395 = arith.constant 0 : i32
      %dma_wait3A_396 = tpu.memref_slice %arg8[%dma_wait3A_395] : memref<10240xf32, #tpu.memory_space<vmem_shared>> -> memref<10240xf32, #tpu.memory_space<vmem_shared>>
      tpu.wait_indirect_dma semaphore(%arg12 : memref<!tpu.dma_semaphore, #tpu.memory_space<semaphore_mem>>) src(%arg6 : memref<128xf32, #tpu.memory_space<vmem>>) dst(%dma_wait3A_396 : memref<10240xf32, #tpu.memory_space<vmem_shared>>)
      %add3A_397 = arith.constant 8 : i32
      %add3A_398 = arith.addi %add3A_244, %add3A_397 : i32
      %dma_start3A_399 = arith.constant 0 : i32
      %dma_start3A_400 = tpu.memref_slice %arg2[%add3A_398, %dma_start3A_399] : memref<2560x128xi32, #tpu.memory_space<hbm>> -> memref<8x128xi32, #tpu.memory_space<hbm>>
      %dma_start3A_401 = arith.constant 0 : i32
      %dma_start3A_402 = tpu.memref_slice %arg2[%add3A_398, %dma_start3A_401] : memref<2560x128xi32, #tpu.memory_space<hbm>> -> memref<8x128xi32, #tpu.memory_space<hbm>>
      tpu.enqueue_dma source(%dma_start3A_402 : memref<8x128xi32, #tpu.memory_space<hbm>>) target(%arg5 : memref<8x128xi32, #tpu.memory_space<vmem>>) target_semaphore(%arg10 : memref<!tpu.dma_semaphore, #tpu.memory_space<semaphore_mem>>)
      %dma_wait3A_403 = arith.constant 0 : i32
      %dma_wait3A_404 = tpu.memref_slice %arg2[%mul3A_18, %dma_wait3A_403] : memref<2560x128xi32, #tpu.memory_space<hbm>> -> memref<8x128xi32, #tpu.memory_space<hbm>>
      %dma_wait3A_405 = arith.constant 0 : i32
      %dma_wait3A_406 = tpu.memref_slice %arg2[%mul3A_18, %dma_wait3A_405] : memref<2560x128xi32, #tpu.memory_space<hbm>> -> memref<8x128xi32, #tpu.memory_space<hbm>>
      tpu.wait_dma2 semaphore(%arg9 : memref<!tpu.dma_semaphore, #tpu.memory_space<semaphore_mem>>) src(%dma_wait3A_406 : memref<8x128xi32, #tpu.memory_space<hbm>>) dst(%arg4 : memref<8x128xi32, #tpu.memory_space<vmem>>)
      %dma_start3A_407 = arith.constant 0 : i32
      %dma_start3A_408 = arith.constant 0 : i32
      %dma_start3A_409 = tpu.memref_slice %arg4[%dma_start3A_407, %dma_start3A_408] : memref<8x128xi32, #tpu.memory_space<vmem>> -> memref<1x128xi32, #tpu.memory_space<vmem>>
      %dma_start3A_410 = tpu.memref_squeeze %dma_start3A_409 : memref<1x128xi32, #tpu.memory_space<vmem>> -> memref<128xi32, #tpu.memory_space<vmem>>
      %dma_start3A_411 = arith.constant 0 : i32
      %dma_start3A_412 = tpu.memref_slice %arg8[%dma_start3A_411] : memref<10240xf32, #tpu.memory_space<vmem_shared>> -> memref<10240xf32, #tpu.memory_space<vmem_shared>>
      tpu.enqueue_indirect_dma source(%arg6 : memref<128xf32, #tpu.memory_space<vmem>>) target(%dma_start3A_412 : memref<10240xf32, #tpu.memory_space<vmem_shared>>) offsets(%dma_start3A_410 : memref<128xi32, #tpu.memory_space<vmem>>) semaphore(%arg11 : memref<!tpu.dma_semaphore, #tpu.memory_space<semaphore_mem>>) {add = true}
      %dma_start3A_413 = arith.constant 1 : i32
      %dma_start3A_414 = arith.constant 0 : i32
      %dma_start3A_415 = tpu.memref_slice %arg4[%dma_start3A_413, %dma_start3A_414] : memref<8x128xi32, #tpu.memory_space<vmem>> -> memref<1x128xi32, #tpu.memory_space<vmem>>
      %dma_start3A_416 = tpu.memref_squeeze %dma_start3A_415 : memref<1x128xi32, #tpu.memory_space<vmem>> -> memref<128xi32, #tpu.memory_space<vmem>>
      %dma_start3A_417 = arith.constant 0 : i32
      %dma_start3A_418 = tpu.memref_slice %arg8[%dma_start3A_417] : memref<10240xf32, #tpu.memory_space<vmem_shared>> -> memref<10240xf32, #tpu.memory_space<vmem_shared>>
      tpu.enqueue_indirect_dma source(%arg6 : memref<128xf32, #tpu.memory_space<vmem>>) target(%dma_start3A_418 : memref<10240xf32, #tpu.memory_space<vmem_shared>>) offsets(%dma_start3A_416 : memref<128xi32, #tpu.memory_space<vmem>>) semaphore(%arg11 : memref<!tpu.dma_semaphore, #tpu.memory_space<semaphore_mem>>) {add = true}
      %dma_start3A_419 = arith.constant 2 : i32
      %dma_start3A_420 = arith.constant 0 : i32
      %dma_start3A_421 = tpu.memref_slice %arg4[%dma_start3A_419, %dma_start3A_420] : memref<8x128xi32, #tpu.memory_space<vmem>> -> memref<1x128xi32, #tpu.memory_space<vmem>>
      %dma_start3A_422 = tpu.memref_squeeze %dma_start3A_421 : memref<1x128xi32, #tpu.memory_space<vmem>> -> memref<128xi32, #tpu.memory_space<vmem>>
      %dma_start3A_423 = arith.constant 0 : i32
      %dma_start3A_424 = tpu.memref_slice %arg8[%dma_start3A_423] : memref<10240xf32, #tpu.memory_space<vmem_shared>> -> memref<10240xf32, #tpu.memory_space<vmem_shared>>
      tpu.enqueue_indirect_dma source(%arg6 : memref<128xf32, #tpu.memory_space<vmem>>) target(%dma_start3A_424 : memref<10240xf32, #tpu.memory_space<vmem_shared>>) offsets(%dma_start3A_422 : memref<128xi32, #tpu.memory_space<vmem>>) semaphore(%arg11 : memref<!tpu.dma_semaphore, #tpu.memory_space<semaphore_mem>>) {add = true}
      %dma_start3A_425 = arith.constant 3 : i32
      %dma_start3A_426 = arith.constant 0 : i32
      %dma_start3A_427 = tpu.memref_slice %arg4[%dma_start3A_425, %dma_start3A_426] : memref<8x128xi32, #tpu.memory_space<vmem>> -> memref<1x128xi32, #tpu.memory_space<vmem>>
      %dma_start3A_428 = tpu.memref_squeeze %dma_start3A_427 : memref<1x128xi32, #tpu.memory_space<vmem>> -> memref<128xi32, #tpu.memory_space<vmem>>
      %dma_start3A_429 = arith.constant 0 : i32
      %dma_start3A_430 = tpu.memref_slice %arg8[%dma_start3A_429] : memref<10240xf32, #tpu.memory_space<vmem_shared>> -> memref<10240xf32, #tpu.memory_space<vmem_shared>>
      tpu.enqueue_indirect_dma source(%arg6 : memref<128xf32, #tpu.memory_space<vmem>>) target(%dma_start3A_430 : memref<10240xf32, #tpu.memory_space<vmem_shared>>) offsets(%dma_start3A_428 : memref<128xi32, #tpu.memory_space<vmem>>) semaphore(%arg11 : memref<!tpu.dma_semaphore, #tpu.memory_space<semaphore_mem>>) {add = true}
      %dma_start3A_431 = arith.constant 4 : i32
      %dma_start3A_432 = arith.constant 0 : i32
      %dma_start3A_433 = tpu.memref_slice %arg4[%dma_start3A_431, %dma_start3A_432] : memref<8x128xi32, #tpu.memory_space<vmem>> -> memref<1x128xi32, #tpu.memory_space<vmem>>
      %dma_start3A_434 = tpu.memref_squeeze %dma_start3A_433 : memref<1x128xi32, #tpu.memory_space<vmem>> -> memref<128xi32, #tpu.memory_space<vmem>>
      %dma_start3A_435 = arith.constant 0 : i32
      %dma_start3A_436 = tpu.memref_slice %arg8[%dma_start3A_435] : memref<10240xf32, #tpu.memory_space<vmem_shared>> -> memref<10240xf32, #tpu.memory_space<vmem_shared>>
      tpu.enqueue_indirect_dma source(%arg6 : memref<128xf32, #tpu.memory_space<vmem>>) target(%dma_start3A_436 : memref<10240xf32, #tpu.memory_space<vmem_shared>>) offsets(%dma_start3A_434 : memref<128xi32, #tpu.memory_space<vmem>>) semaphore(%arg11 : memref<!tpu.dma_semaphore, #tpu.memory_space<semaphore_mem>>) {add = true}
      %dma_start3A_437 = arith.constant 5 : i32
      %dma_start3A_438 = arith.constant 0 : i32
      %dma_start3A_439 = tpu.memref_slice %arg4[%dma_start3A_437, %dma_start3A_438] : memref<8x128xi32, #tpu.memory_space<vmem>> -> memref<1x128xi32, #tpu.memory_space<vmem>>
      %dma_start3A_440 = tpu.memref_squeeze %dma_start3A_439 : memref<1x128xi32, #tpu.memory_space<vmem>> -> memref<128xi32, #tpu.memory_space<vmem>>
      %dma_start3A_441 = arith.constant 0 : i32
      %dma_start3A_442 = tpu.memref_slice %arg8[%dma_start3A_441] : memref<10240xf32, #tpu.memory_space<vmem_shared>> -> memref<10240xf32, #tpu.memory_space<vmem_shared>>
      tpu.enqueue_indirect_dma source(%arg6 : memref<128xf32, #tpu.memory_space<vmem>>) target(%dma_start3A_442 : memref<10240xf32, #tpu.memory_space<vmem_shared>>) offsets(%dma_start3A_440 : memref<128xi32, #tpu.memory_space<vmem>>) semaphore(%arg11 : memref<!tpu.dma_semaphore, #tpu.memory_space<semaphore_mem>>) {add = true}
      %dma_start3A_443 = arith.constant 6 : i32
      %dma_start3A_444 = arith.constant 0 : i32
      %dma_start3A_445 = tpu.memref_slice %arg4[%dma_start3A_443, %dma_start3A_444] : memref<8x128xi32, #tpu.memory_space<vmem>> -> memref<1x128xi32, #tpu.memory_space<vmem>>
      %dma_start3A_446 = tpu.memref_squeeze %dma_start3A_445 : memref<1x128xi32, #tpu.memory_space<vmem>> -> memref<128xi32, #tpu.memory_space<vmem>>
      %dma_start3A_447 = arith.constant 0 : i32
      %dma_start3A_448 = tpu.memref_slice %arg8[%dma_start3A_447] : memref<10240xf32, #tpu.memory_space<vmem_shared>> -> memref<10240xf32, #tpu.memory_space<vmem_shared>>
      tpu.enqueue_indirect_dma source(%arg6 : memref<128xf32, #tpu.memory_space<vmem>>) target(%dma_start3A_448 : memref<10240xf32, #tpu.memory_space<vmem_shared>>) offsets(%dma_start3A_446 : memref<128xi32, #tpu.memory_space<vmem>>) semaphore(%arg11 : memref<!tpu.dma_semaphore, #tpu.memory_space<semaphore_mem>>) {add = true}
      %dma_start3A_449 = arith.constant 7 : i32
      %dma_start3A_450 = arith.constant 0 : i32
      %dma_start3A_451 = tpu.memref_slice %arg4[%dma_start3A_449, %dma_start3A_450] : memref<8x128xi32, #tpu.memory_space<vmem>> -> memref<1x128xi32, #tpu.memory_space<vmem>>
      %dma_start3A_452 = tpu.memref_squeeze %dma_start3A_451 : memref<1x128xi32, #tpu.memory_space<vmem>> -> memref<128xi32, #tpu.memory_space<vmem>>
      %dma_start3A_453 = arith.constant 0 : i32
      %dma_start3A_454 = tpu.memref_slice %arg8[%dma_start3A_453] : memref<10240xf32, #tpu.memory_space<vmem_shared>> -> memref<10240xf32, #tpu.memory_space<vmem_shared>>
      tpu.enqueue_indirect_dma source(%arg6 : memref<128xf32, #tpu.memory_space<vmem>>) target(%dma_start3A_454 : memref<10240xf32, #tpu.memory_space<vmem_shared>>) offsets(%dma_start3A_452 : memref<128xi32, #tpu.memory_space<vmem>>) semaphore(%arg11 : memref<!tpu.dma_semaphore, #tpu.memory_space<semaphore_mem>>) {add = true}
    }
    %scan3A_84 = arith.constant 4 : i32
    %dma_wait3A_85 = arith.constant 0 : i32
    %dma_wait3A_86 = tpu.memref_slice %arg2[%mul3A_18, %dma_wait3A_85] : memref<2560x128xi32, #tpu.memory_space<hbm>> -> memref<8x128xi32, #tpu.memory_space<hbm>>
    %dma_wait3A_87 = arith.constant 0 : i32
    %dma_wait3A_88 = tpu.memref_slice %arg2[%mul3A_18, %dma_wait3A_87] : memref<2560x128xi32, #tpu.memory_space<hbm>> -> memref<8x128xi32, #tpu.memory_space<hbm>>
    tpu.wait_dma2 semaphore(%arg10 : memref<!tpu.dma_semaphore, #tpu.memory_space<semaphore_mem>>) src(%dma_wait3A_88 : memref<8x128xi32, #tpu.memory_space<hbm>>) dst(%arg5 : memref<8x128xi32, #tpu.memory_space<vmem>>)
    %dma_start3A_89 = arith.constant 0 : i32
    %dma_start3A_90 = arith.constant 0 : i32
    %dma_start3A_91 = tpu.memref_slice %arg5[%dma_start3A_89, %dma_start3A_90] : memref<8x128xi32, #tpu.memory_space<vmem>> -> memref<1x128xi32, #tpu.memory_space<vmem>>
    %dma_start3A_92 = tpu.memref_squeeze %dma_start3A_91 : memref<1x128xi32, #tpu.memory_space<vmem>> -> memref<128xi32, #tpu.memory_space<vmem>>
    %dma_start3A_93 = arith.constant 0 : i32
    %dma_start3A_94 = tpu.memref_slice %arg8[%dma_start3A_93] : memref<10240xf32, #tpu.memory_space<vmem_shared>> -> memref<10240xf32, #tpu.memory_space<vmem_shared>>
    tpu.enqueue_indirect_dma source(%arg6 : memref<128xf32, #tpu.memory_space<vmem>>) target(%dma_start3A_94 : memref<10240xf32, #tpu.memory_space<vmem_shared>>) offsets(%dma_start3A_92 : memref<128xi32, #tpu.memory_space<vmem>>) semaphore(%arg12 : memref<!tpu.dma_semaphore, #tpu.memory_space<semaphore_mem>>) {add = true}
    %dma_start3A_95 = arith.constant 1 : i32
    %dma_start3A_96 = arith.constant 0 : i32
    %dma_start3A_97 = tpu.memref_slice %arg5[%dma_start3A_95, %dma_start3A_96] : memref<8x128xi32, #tpu.memory_space<vmem>> -> memref<1x128xi32, #tpu.memory_space<vmem>>
    %dma_start3A_98 = tpu.memref_squeeze %dma_start3A_97 : memref<1x128xi32, #tpu.memory_space<vmem>> -> memref<128xi32, #tpu.memory_space<vmem>>
    %dma_start3A_99 = arith.constant 0 : i32
    %dma_start3A_100 = tpu.memref_slice %arg8[%dma_start3A_99] : memref<10240xf32, #tpu.memory_space<vmem_shared>> -> memref<10240xf32, #tpu.memory_space<vmem_shared>>
    tpu.enqueue_indirect_dma source(%arg6 : memref<128xf32, #tpu.memory_space<vmem>>) target(%dma_start3A_100 : memref<10240xf32, #tpu.memory_space<vmem_shared>>) offsets(%dma_start3A_98 : memref<128xi32, #tpu.memory_space<vmem>>) semaphore(%arg12 : memref<!tpu.dma_semaphore, #tpu.memory_space<semaphore_mem>>) {add = true}
    %dma_start3A_101 = arith.constant 2 : i32
    %dma_start3A_102 = arith.constant 0 : i32
    %dma_start3A_103 = tpu.memref_slice %arg5[%dma_start3A_101, %dma_start3A_102] : memref<8x128xi32, #tpu.memory_space<vmem>> -> memref<1x128xi32, #tpu.memory_space<vmem>>
    %dma_start3A_104 = tpu.memref_squeeze %dma_start3A_103 : memref<1x128xi32, #tpu.memory_space<vmem>> -> memref<128xi32, #tpu.memory_space<vmem>>
    %dma_start3A_105 = arith.constant 0 : i32
    %dma_start3A_106 = tpu.memref_slice %arg8[%dma_start3A_105] : memref<10240xf32, #tpu.memory_space<vmem_shared>> -> memref<10240xf32, #tpu.memory_space<vmem_shared>>
    tpu.enqueue_indirect_dma source(%arg6 : memref<128xf32, #tpu.memory_space<vmem>>) target(%dma_start3A_106 : memref<10240xf32, #tpu.memory_space<vmem_shared>>) offsets(%dma_start3A_104 : memref<128xi32, #tpu.memory_space<vmem>>) semaphore(%arg12 : memref<!tpu.dma_semaphore, #tpu.memory_space<semaphore_mem>>) {add = true}
    %dma_start3A_107 = arith.constant 3 : i32
    %dma_start3A_108 = arith.constant 0 : i32
    %dma_start3A_109 = tpu.memref_slice %arg5[%dma_start3A_107, %dma_start3A_108] : memref<8x128xi32, #tpu.memory_space<vmem>> -> memref<1x128xi32, #tpu.memory_space<vmem>>
    %dma_start3A_110 = tpu.memref_squeeze %dma_start3A_109 : memref<1x128xi32, #tpu.memory_space<vmem>> -> memref<128xi32, #tpu.memory_space<vmem>>
    %dma_start3A_111 = arith.constant 0 : i32
    %dma_start3A_112 = tpu.memref_slice %arg8[%dma_start3A_111] : memref<10240xf32, #tpu.memory_space<vmem_shared>> -> memref<10240xf32, #tpu.memory_space<vmem_shared>>
    tpu.enqueue_indirect_dma source(%arg6 : memref<128xf32, #tpu.memory_space<vmem>>) target(%dma_start3A_112 : memref<10240xf32, #tpu.memory_space<vmem_shared>>) offsets(%dma_start3A_110 : memref<128xi32, #tpu.memory_space<vmem>>) semaphore(%arg12 : memref<!tpu.dma_semaphore, #tpu.memory_space<semaphore_mem>>) {add = true}
    %dma_start3A_113 = arith.constant 4 : i32
    %dma_start3A_114 = arith.constant 0 : i32
    %dma_start3A_115 = tpu.memref_slice %arg5[%dma_start3A_113, %dma_start3A_114] : memref<8x128xi32, #tpu.memory_space<vmem>> -> memref<1x128xi32, #tpu.memory_space<vmem>>
    %dma_start3A_116 = tpu.memref_squeeze %dma_start3A_115 : memref<1x128xi32, #tpu.memory_space<vmem>> -> memref<128xi32, #tpu.memory_space<vmem>>
    %dma_start3A_117 = arith.constant 0 : i32
    %dma_start3A_118 = tpu.memref_slice %arg8[%dma_start3A_117] : memref<10240xf32, #tpu.memory_space<vmem_shared>> -> memref<10240xf32, #tpu.memory_space<vmem_shared>>
    tpu.enqueue_indirect_dma source(%arg6 : memref<128xf32, #tpu.memory_space<vmem>>) target(%dma_start3A_118 : memref<10240xf32, #tpu.memory_space<vmem_shared>>) offsets(%dma_start3A_116 : memref<128xi32, #tpu.memory_space<vmem>>) semaphore(%arg12 : memref<!tpu.dma_semaphore, #tpu.memory_space<semaphore_mem>>) {add = true}
    %dma_start3A_119 = arith.constant 5 : i32
    %dma_start3A_120 = arith.constant 0 : i32
    %dma_start3A_121 = tpu.memref_slice %arg5[%dma_start3A_119, %dma_start3A_120] : memref<8x128xi32, #tpu.memory_space<vmem>> -> memref<1x128xi32, #tpu.memory_space<vmem>>
    %dma_start3A_122 = tpu.memref_squeeze %dma_start3A_121 : memref<1x128xi32, #tpu.memory_space<vmem>> -> memref<128xi32, #tpu.memory_space<vmem>>
    %dma_start3A_123 = arith.constant 0 : i32
    %dma_start3A_124 = tpu.memref_slice %arg8[%dma_start3A_123] : memref<10240xf32, #tpu.memory_space<vmem_shared>> -> memref<10240xf32, #tpu.memory_space<vmem_shared>>
    tpu.enqueue_indirect_dma source(%arg6 : memref<128xf32, #tpu.memory_space<vmem>>) target(%dma_start3A_124 : memref<10240xf32, #tpu.memory_space<vmem_shared>>) offsets(%dma_start3A_122 : memref<128xi32, #tpu.memory_space<vmem>>) semaphore(%arg12 : memref<!tpu.dma_semaphore, #tpu.memory_space<semaphore_mem>>) {add = true}
    %dma_start3A_125 = arith.constant 6 : i32
    %dma_start3A_126 = arith.constant 0 : i32
    %dma_start3A_127 = tpu.memref_slice %arg5[%dma_start3A_125, %dma_start3A_126] : memref<8x128xi32, #tpu.memory_space<vmem>> -> memref<1x128xi32, #tpu.memory_space<vmem>>
    %dma_start3A_128 = tpu.memref_squeeze %dma_start3A_127 : memref<1x128xi32, #tpu.memory_space<vmem>> -> memref<128xi32, #tpu.memory_space<vmem>>
    %dma_start3A_129 = arith.constant 0 : i32
    %dma_start3A_130 = tpu.memref_slice %arg8[%dma_start3A_129] : memref<10240xf32, #tpu.memory_space<vmem_shared>> -> memref<10240xf32, #tpu.memory_space<vmem_shared>>
    tpu.enqueue_indirect_dma source(%arg6 : memref<128xf32, #tpu.memory_space<vmem>>) target(%dma_start3A_130 : memref<10240xf32, #tpu.memory_space<vmem_shared>>) offsets(%dma_start3A_128 : memref<128xi32, #tpu.memory_space<vmem>>) semaphore(%arg12 : memref<!tpu.dma_semaphore, #tpu.memory_space<semaphore_mem>>) {add = true}
    %dma_start3A_131 = arith.constant 7 : i32
    %dma_start3A_132 = arith.constant 0 : i32
    %dma_start3A_133 = tpu.memref_slice %arg5[%dma_start3A_131, %dma_start3A_132] : memref<8x128xi32, #tpu.memory_space<vmem>> -> memref<1x128xi32, #tpu.memory_space<vmem>>
    %dma_start3A_134 = tpu.memref_squeeze %dma_start3A_133 : memref<1x128xi32, #tpu.memory_space<vmem>> -> memref<128xi32, #tpu.memory_space<vmem>>
    %dma_start3A_135 = arith.constant 0 : i32
    %dma_start3A_136 = tpu.memref_slice %arg8[%dma_start3A_135] : memref<10240xf32, #tpu.memory_space<vmem_shared>> -> memref<10240xf32, #tpu.memory_space<vmem_shared>>
    tpu.enqueue_indirect_dma source(%arg6 : memref<128xf32, #tpu.memory_space<vmem>>) target(%dma_start3A_136 : memref<10240xf32, #tpu.memory_space<vmem_shared>>) offsets(%dma_start3A_134 : memref<128xi32, #tpu.memory_space<vmem>>) semaphore(%arg12 : memref<!tpu.dma_semaphore, #tpu.memory_space<semaphore_mem>>) {add = true}
    %dma_wait3A_137 = arith.constant 0 : i32
    %dma_wait3A_138 = arith.constant 0 : i32
    %dma_wait3A_139 = tpu.memref_slice %arg4[%dma_wait3A_137, %dma_wait3A_138] : memref<8x128xi32, #tpu.memory_space<vmem>> -> memref<1x128xi32, #tpu.memory_space<vmem>>
    %dma_wait3A_140 = tpu.memref_squeeze %dma_wait3A_139 : memref<1x128xi32, #tpu.memory_space<vmem>> -> memref<128xi32, #tpu.memory_space<vmem>>
    %dma_wait3A_141 = arith.constant 0 : i32
    %dma_wait3A_142 = tpu.memref_slice %arg8[%dma_wait3A_141] : memref<10240xf32, #tpu.memory_space<vmem_shared>> -> memref<10240xf32, #tpu.memory_space<vmem_shared>>
    tpu.wait_indirect_dma semaphore(%arg11 : memref<!tpu.dma_semaphore, #tpu.memory_space<semaphore_mem>>) src(%arg6 : memref<128xf32, #tpu.memory_space<vmem>>) dst(%dma_wait3A_142 : memref<10240xf32, #tpu.memory_space<vmem_shared>>)
    %dma_wait3A_143 = arith.constant 1 : i32
    %dma_wait3A_144 = arith.constant 0 : i32
    %dma_wait3A_145 = tpu.memref_slice %arg4[%dma_wait3A_143, %dma_wait3A_144] : memref<8x128xi32, #tpu.memory_space<vmem>> -> memref<1x128xi32, #tpu.memory_space<vmem>>
    %dma_wait3A_146 = tpu.memref_squeeze %dma_wait3A_145 : memref<1x128xi32, #tpu.memory_space<vmem>> -> memref<128xi32, #tpu.memory_space<vmem>>
    %dma_wait3A_147 = arith.constant 0 : i32
    %dma_wait3A_148 = tpu.memref_slice %arg8[%dma_wait3A_147] : memref<10240xf32, #tpu.memory_space<vmem_shared>> -> memref<10240xf32, #tpu.memory_space<vmem_shared>>
    tpu.wait_indirect_dma semaphore(%arg11 : memref<!tpu.dma_semaphore, #tpu.memory_space<semaphore_mem>>) src(%arg6 : memref<128xf32, #tpu.memory_space<vmem>>) dst(%dma_wait3A_148 : memref<10240xf32, #tpu.memory_space<vmem_shared>>)
    %dma_wait3A_149 = arith.constant 2 : i32
    %dma_wait3A_150 = arith.constant 0 : i32
    %dma_wait3A_151 = tpu.memref_slice %arg4[%dma_wait3A_149, %dma_wait3A_150] : memref<8x128xi32, #tpu.memory_space<vmem>> -> memref<1x128xi32, #tpu.memory_space<vmem>>
    %dma_wait3A_152 = tpu.memref_squeeze %dma_wait3A_151 : memref<1x128xi32, #tpu.memory_space<vmem>> -> memref<128xi32, #tpu.memory_space<vmem>>
    %dma_wait3A_153 = arith.constant 0 : i32
    %dma_wait3A_154 = tpu.memref_slice %arg8[%dma_wait3A_153] : memref<10240xf32, #tpu.memory_space<vmem_shared>> -> memref<10240xf32, #tpu.memory_space<vmem_shared>>
    tpu.wait_indirect_dma semaphore(%arg11 : memref<!tpu.dma_semaphore, #tpu.memory_space<semaphore_mem>>) src(%arg6 : memref<128xf32, #tpu.memory_space<vmem>>) dst(%dma_wait3A_154 : memref<10240xf32, #tpu.memory_space<vmem_shared>>)
    %dma_wait3A_155 = arith.constant 3 : i32
    %dma_wait3A_156 = arith.constant 0 : i32
    %dma_wait3A_157 = tpu.memref_slice %arg4[%dma_wait3A_155, %dma_wait3A_156] : memref<8x128xi32, #tpu.memory_space<vmem>> -> memref<1x128xi32, #tpu.memory_space<vmem>>
    %dma_wait3A_158 = tpu.memref_squeeze %dma_wait3A_157 : memref<1x128xi32, #tpu.memory_space<vmem>> -> memref<128xi32, #tpu.memory_space<vmem>>
    %dma_wait3A_159 = arith.constant 0 : i32
    %dma_wait3A_160 = tpu.memref_slice %arg8[%dma_wait3A_159] : memref<10240xf32, #tpu.memory_space<vmem_shared>> -> memref<10240xf32, #tpu.memory_space<vmem_shared>>
    tpu.wait_indirect_dma semaphore(%arg11 : memref<!tpu.dma_semaphore, #tpu.memory_space<semaphore_mem>>) src(%arg6 : memref<128xf32, #tpu.memory_space<vmem>>) dst(%dma_wait3A_160 : memref<10240xf32, #tpu.memory_space<vmem_shared>>)
    %dma_wait3A_161 = arith.constant 4 : i32
    %dma_wait3A_162 = arith.constant 0 : i32
    %dma_wait3A_163 = tpu.memref_slice %arg4[%dma_wait3A_161, %dma_wait3A_162] : memref<8x128xi32, #tpu.memory_space<vmem>> -> memref<1x128xi32, #tpu.memory_space<vmem>>
    %dma_wait3A_164 = tpu.memref_squeeze %dma_wait3A_163 : memref<1x128xi32, #tpu.memory_space<vmem>> -> memref<128xi32, #tpu.memory_space<vmem>>
    %dma_wait3A_165 = arith.constant 0 : i32
    %dma_wait3A_166 = tpu.memref_slice %arg8[%dma_wait3A_165] : memref<10240xf32, #tpu.memory_space<vmem_shared>> -> memref<10240xf32, #tpu.memory_space<vmem_shared>>
    tpu.wait_indirect_dma semaphore(%arg11 : memref<!tpu.dma_semaphore, #tpu.memory_space<semaphore_mem>>) src(%arg6 : memref<128xf32, #tpu.memory_space<vmem>>) dst(%dma_wait3A_166 : memref<10240xf32, #tpu.memory_space<vmem_shared>>)
    %dma_wait3A_167 = arith.constant 5 : i32
    %dma_wait3A_168 = arith.constant 0 : i32
    %dma_wait3A_169 = tpu.memref_slice %arg4[%dma_wait3A_167, %dma_wait3A_168] : memref<8x128xi32, #tpu.memory_space<vmem>> -> memref<1x128xi32, #tpu.memory_space<vmem>>
    %dma_wait3A_170 = tpu.memref_squeeze %dma_wait3A_169 : memref<1x128xi32, #tpu.memory_space<vmem>> -> memref<128xi32, #tpu.memory_space<vmem>>
    %dma_wait3A_171 = arith.constant 0 : i32
    %dma_wait3A_172 = tpu.memref_slice %arg8[%dma_wait3A_171] : memref<10240xf32, #tpu.memory_space<vmem_shared>> -> memref<10240xf32, #tpu.memory_space<vmem_shared>>
    tpu.wait_indirect_dma semaphore(%arg11 : memref<!tpu.dma_semaphore, #tpu.memory_space<semaphore_mem>>) src(%arg6 : memref<128xf32, #tpu.memory_space<vmem>>) dst(%dma_wait3A_172 : memref<10240xf32, #tpu.memory_space<vmem_shared>>)
    %dma_wait3A_173 = arith.constant 6 : i32
    %dma_wait3A_174 = arith.constant 0 : i32
    %dma_wait3A_175 = tpu.memref_slice %arg4[%dma_wait3A_173, %dma_wait3A_174] : memref<8x128xi32, #tpu.memory_space<vmem>> -> memref<1x128xi32, #tpu.memory_space<vmem>>
    %dma_wait3A_176 = tpu.memref_squeeze %dma_wait3A_175 : memref<1x128xi32, #tpu.memory_space<vmem>> -> memref<128xi32, #tpu.memory_space<vmem>>
    %dma_wait3A_177 = arith.constant 0 : i32
    %dma_wait3A_178 = tpu.memref_slice %arg8[%dma_wait3A_177] : memref<10240xf32, #tpu.memory_space<vmem_shared>> -> memref<10240xf32, #tpu.memory_space<vmem_shared>>
    tpu.wait_indirect_dma semaphore(%arg11 : memref<!tpu.dma_semaphore, #tpu.memory_space<semaphore_mem>>) src(%arg6 : memref<128xf32, #tpu.memory_space<vmem>>) dst(%dma_wait3A_178 : memref<10240xf32, #tpu.memory_space<vmem_shared>>)
    %dma_wait3A_179 = arith.constant 7 : i32
    %dma_wait3A_180 = arith.constant 0 : i32
    %dma_wait3A_181 = tpu.memref_slice %arg4[%dma_wait3A_179, %dma_wait3A_180] : memref<8x128xi32, #tpu.memory_space<vmem>> -> memref<1x128xi32, #tpu.memory_space<vmem>>
    %dma_wait3A_182 = tpu.memref_squeeze %dma_wait3A_181 : memref<1x128xi32, #tpu.memory_space<vmem>> -> memref<128xi32, #tpu.memory_space<vmem>>
    %dma_wait3A_183 = arith.constant 0 : i32
    %dma_wait3A_184 = tpu.memref_slice %arg8[%dma_wait3A_183] : memref<10240xf32, #tpu.memory_space<vmem_shared>> -> memref<10240xf32, #tpu.memory_space<vmem_shared>>
    tpu.wait_indirect_dma semaphore(%arg11 : memref<!tpu.dma_semaphore, #tpu.memory_space<semaphore_mem>>) src(%arg6 : memref<128xf32, #tpu.memory_space<vmem>>) dst(%dma_wait3A_184 : memref<10240xf32, #tpu.memory_space<vmem_shared>>)
    %dma_wait3A_185 = arith.constant 0 : i32
    %dma_wait3A_186 = arith.constant 0 : i32
    %dma_wait3A_187 = tpu.memref_slice %arg5[%dma_wait3A_185, %dma_wait3A_186] : memref<8x128xi32, #tpu.memory_space<vmem>> -> memref<1x128xi32, #tpu.memory_space<vmem>>
    %dma_wait3A_188 = tpu.memref_squeeze %dma_wait3A_187 : memref<1x128xi32, #tpu.memory_space<vmem>> -> memref<128xi32, #tpu.memory_space<vmem>>
    %dma_wait3A_189 = arith.constant 0 : i32
    %dma_wait3A_190 = tpu.memref_slice %arg8[%dma_wait3A_189] : memref<10240xf32, #tpu.memory_space<vmem_shared>> -> memref<10240xf32, #tpu.memory_space<vmem_shared>>
    tpu.wait_indirect_dma semaphore(%arg12 : memref<!tpu.dma_semaphore, #tpu.memory_space<semaphore_mem>>) src(%arg6 : memref<128xf32, #tpu.memory_space<vmem>>) dst(%dma_wait3A_190 : memref<10240xf32, #tpu.memory_space<vmem_shared>>)
    %dma_wait3A_191 = arith.constant 1 : i32
    %dma_wait3A_192 = arith.constant 0 : i32
    %dma_wait3A_193 = tpu.memref_slice %arg5[%dma_wait3A_191, %dma_wait3A_192] : memref<8x128xi32, #tpu.memory_space<vmem>> -> memref<1x128xi32, #tpu.memory_space<vmem>>
    %dma_wait3A_194 = tpu.memref_squeeze %dma_wait3A_193 : memref<1x128xi32, #tpu.memory_space<vmem>> -> memref<128xi32, #tpu.memory_space<vmem>>
    %dma_wait3A_195 = arith.constant 0 : i32
    %dma_wait3A_196 = tpu.memref_slice %arg8[%dma_wait3A_195] : memref<10240xf32, #tpu.memory_space<vmem_shared>> -> memref<10240xf32, #tpu.memory_space<vmem_shared>>
    tpu.wait_indirect_dma semaphore(%arg12 : memref<!tpu.dma_semaphore, #tpu.memory_space<semaphore_mem>>) src(%arg6 : memref<128xf32, #tpu.memory_space<vmem>>) dst(%dma_wait3A_196 : memref<10240xf32, #tpu.memory_space<vmem_shared>>)
    %dma_wait3A_197 = arith.constant 2 : i32
    %dma_wait3A_198 = arith.constant 0 : i32
    %dma_wait3A_199 = tpu.memref_slice %arg5[%dma_wait3A_197, %dma_wait3A_198] : memref<8x128xi32, #tpu.memory_space<vmem>> -> memref<1x128xi32, #tpu.memory_space<vmem>>
    %dma_wait3A_200 = tpu.memref_squeeze %dma_wait3A_199 : memref<1x128xi32, #tpu.memory_space<vmem>> -> memref<128xi32, #tpu.memory_space<vmem>>
    %dma_wait3A_201 = arith.constant 0 : i32
    %dma_wait3A_202 = tpu.memref_slice %arg8[%dma_wait3A_201] : memref<10240xf32, #tpu.memory_space<vmem_shared>> -> memref<10240xf32, #tpu.memory_space<vmem_shared>>
    tpu.wait_indirect_dma semaphore(%arg12 : memref<!tpu.dma_semaphore, #tpu.memory_space<semaphore_mem>>) src(%arg6 : memref<128xf32, #tpu.memory_space<vmem>>) dst(%dma_wait3A_202 : memref<10240xf32, #tpu.memory_space<vmem_shared>>)
    %dma_wait3A_203 = arith.constant 3 : i32
    %dma_wait3A_204 = arith.constant 0 : i32
    %dma_wait3A_205 = tpu.memref_slice %arg5[%dma_wait3A_203, %dma_wait3A_204] : memref<8x128xi32, #tpu.memory_space<vmem>> -> memref<1x128xi32, #tpu.memory_space<vmem>>
    %dma_wait3A_206 = tpu.memref_squeeze %dma_wait3A_205 : memref<1x128xi32, #tpu.memory_space<vmem>> -> memref<128xi32, #tpu.memory_space<vmem>>
    %dma_wait3A_207 = arith.constant 0 : i32
    %dma_wait3A_208 = tpu.memref_slice %arg8[%dma_wait3A_207] : memref<10240xf32, #tpu.memory_space<vmem_shared>> -> memref<10240xf32, #tpu.memory_space<vmem_shared>>
    tpu.wait_indirect_dma semaphore(%arg12 : memref<!tpu.dma_semaphore, #tpu.memory_space<semaphore_mem>>) src(%arg6 : memref<128xf32, #tpu.memory_space<vmem>>) dst(%dma_wait3A_208 : memref<10240xf32, #tpu.memory_space<vmem_shared>>)
    %dma_wait3A_209 = arith.constant 4 : i32
    %dma_wait3A_210 = arith.constant 0 : i32
    %dma_wait3A_211 = tpu.memref_slice %arg5[%dma_wait3A_209, %dma_wait3A_210] : memref<8x128xi32, #tpu.memory_space<vmem>> -> memref<1x128xi32, #tpu.memory_space<vmem>>
    %dma_wait3A_212 = tpu.memref_squeeze %dma_wait3A_211 : memref<1x128xi32, #tpu.memory_space<vmem>> -> memref<128xi32, #tpu.memory_space<vmem>>
    %dma_wait3A_213 = arith.constant 0 : i32
    %dma_wait3A_214 = tpu.memref_slice %arg8[%dma_wait3A_213] : memref<10240xf32, #tpu.memory_space<vmem_shared>> -> memref<10240xf32, #tpu.memory_space<vmem_shared>>
    tpu.wait_indirect_dma semaphore(%arg12 : memref<!tpu.dma_semaphore, #tpu.memory_space<semaphore_mem>>) src(%arg6 : memref<128xf32, #tpu.memory_space<vmem>>) dst(%dma_wait3A_214 : memref<10240xf32, #tpu.memory_space<vmem_shared>>)
    %dma_wait3A_215 = arith.constant 5 : i32
    %dma_wait3A_216 = arith.constant 0 : i32
    %dma_wait3A_217 = tpu.memref_slice %arg5[%dma_wait3A_215, %dma_wait3A_216] : memref<8x128xi32, #tpu.memory_space<vmem>> -> memref<1x128xi32, #tpu.memory_space<vmem>>
    %dma_wait3A_218 = tpu.memref_squeeze %dma_wait3A_217 : memref<1x128xi32, #tpu.memory_space<vmem>> -> memref<128xi32, #tpu.memory_space<vmem>>
    %dma_wait3A_219 = arith.constant 0 : i32
    %dma_wait3A_220 = tpu.memref_slice %arg8[%dma_wait3A_219] : memref<10240xf32, #tpu.memory_space<vmem_shared>> -> memref<10240xf32, #tpu.memory_space<vmem_shared>>
    tpu.wait_indirect_dma semaphore(%arg12 : memref<!tpu.dma_semaphore, #tpu.memory_space<semaphore_mem>>) src(%arg6 : memref<128xf32, #tpu.memory_space<vmem>>) dst(%dma_wait3A_220 : memref<10240xf32, #tpu.memory_space<vmem_shared>>)
    %dma_wait3A_221 = arith.constant 6 : i32
    %dma_wait3A_222 = arith.constant 0 : i32
    %dma_wait3A_223 = tpu.memref_slice %arg5[%dma_wait3A_221, %dma_wait3A_222] : memref<8x128xi32, #tpu.memory_space<vmem>> -> memref<1x128xi32, #tpu.memory_space<vmem>>
    %dma_wait3A_224 = tpu.memref_squeeze %dma_wait3A_223 : memref<1x128xi32, #tpu.memory_space<vmem>> -> memref<128xi32, #tpu.memory_space<vmem>>
    %dma_wait3A_225 = arith.constant 0 : i32
    %dma_wait3A_226 = tpu.memref_slice %arg8[%dma_wait3A_225] : memref<10240xf32, #tpu.memory_space<vmem_shared>> -> memref<10240xf32, #tpu.memory_space<vmem_shared>>
    tpu.wait_indirect_dma semaphore(%arg12 : memref<!tpu.dma_semaphore, #tpu.memory_space<semaphore_mem>>) src(%arg6 : memref<128xf32, #tpu.memory_space<vmem>>) dst(%dma_wait3A_226 : memref<10240xf32, #tpu.memory_space<vmem_shared>>)
    %dma_wait3A_227 = arith.constant 7 : i32
    %dma_wait3A_228 = arith.constant 0 : i32
    %dma_wait3A_229 = tpu.memref_slice %arg5[%dma_wait3A_227, %dma_wait3A_228] : memref<8x128xi32, #tpu.memory_space<vmem>> -> memref<1x128xi32, #tpu.memory_space<vmem>>
    %dma_wait3A_230 = tpu.memref_squeeze %dma_wait3A_229 : memref<1x128xi32, #tpu.memory_space<vmem>> -> memref<128xi32, #tpu.memory_space<vmem>>
    %dma_wait3A_231 = arith.constant 0 : i32
    %dma_wait3A_232 = tpu.memref_slice %arg8[%dma_wait3A_231] : memref<10240xf32, #tpu.memory_space<vmem_shared>> -> memref<10240xf32, #tpu.memory_space<vmem_shared>>
    tpu.wait_indirect_dma semaphore(%arg12 : memref<!tpu.dma_semaphore, #tpu.memory_space<semaphore_mem>>) src(%arg6 : memref<128xf32, #tpu.memory_space<vmem>>) dst(%dma_wait3A_232 : memref<10240xf32, #tpu.memory_space<vmem_shared>>)
    %barrier3A_233 = arith.constant 0 : index
    tpu.barrier barrier_id(%barrier3A_233)
    %mul3A_234 = arith.constant 640 : i32
    %mul3A_235 = arith.muli %arg1, %mul3A_234 : i32
    %mul3A_236 = arith.constant 10240 : i32
    %mul3A_237 = arith.muli %arg0, %mul3A_236 : i32
    %mul3A_238 = arith.constant 640 : i32
    %mul3A_239 = arith.muli %arg1, %mul3A_238 : i32
    %add3A_240 = arith.addi %mul3A_237, %mul3A_239 : i32
    "tpu.region"() ({
      %run_scoped3A = tpu.sem_alloc : memref<!tpu.dma_semaphore, #tpu.memory_space<semaphore_mem>>
      %dma_start3A_241 = tpu.memref_slice %arg3[%add3A_240] : memref<20480xf32, #tpu.memory_space<hbm>> -> memref<640xf32, #tpu.memory_space<hbm>>
      %dma_start3A_242 = tpu.memref_slice %arg8[%mul3A_235] : memref<10240xf32, #tpu.memory_space<vmem_shared>> -> memref<640xf32, #tpu.memory_space<vmem_shared>>
      tpu.enqueue_dma source(%dma_start3A_242 : memref<640xf32, #tpu.memory_space<vmem_shared>>) target(%dma_start3A_241 : memref<640xf32, #tpu.memory_space<hbm>>) target_semaphore(%run_scoped3A : memref<!tpu.dma_semaphore, #tpu.memory_space<semaphore_mem>>)
      %dma_wait3A_243 = tpu.memref_slice %arg3[%add3A_240] : memref<20480xf32, #tpu.memory_space<hbm>> -> memref<640xf32, #tpu.memory_space<hbm>>
      %dma_wait3A_244 = tpu.memref_slice %arg8[%mul3A_235] : memref<10240xf32, #tpu.memory_space<vmem_shared>> -> memref<640xf32, #tpu.memory_space<vmem_shared>>
      tpu.wait_dma2 semaphore(%run_scoped3A : memref<!tpu.dma_semaphore, #tpu.memory_space<semaphore_mem>>) src(%dma_wait3A_244 : memref<640xf32, #tpu.memory_space<vmem_shared>>) dst(%dma_wait3A_243 : memref<640xf32, #tpu.memory_space<hbm>>)
      tpu.yield
    }) : () -> ()
    return
  }
}

#map = affine_map<(d0, d1) -> (0, 0, 0)>
#map1 = affine_map<(d0, d1) -> (0, 0)>
module attributes {stable_mosaic.version = 14 : i64} {
  func.func @_edge_kernel(%arg0: i32, %arg1: i32, %arg2: memref<2560x2x128xi32, #tpu.memory_space<hbm>>, %arg3: memref<10240x128xf32, #tpu.memory_space<hbm>>, %arg4: memref<20480x128xf32, #tpu.memory_space<hbm>>, %arg5: memref<1x2x128xi32, #tpu.memory_space<vmem>>, %arg6: memref<1x2x128xi32, #tpu.memory_space<vmem>>, %arg7: memref<128x128xf32, #tpu.memory_space<vmem>>, %arg8: memref<128x128xf32, #tpu.memory_space<vmem>>, %arg9: memref<64x128xf32, #tpu.memory_space<vmem>>, %arg10: memref<10240x128xf32, #tpu.memory_space<vmem_shared>>, %arg11: memref<!tpu.dma_semaphore, #tpu.memory_space<semaphore_mem>>, %arg12: memref<!tpu.dma_semaphore, #tpu.memory_space<semaphore_mem>>, %arg13: memref<!tpu.dma_semaphore, #tpu.memory_space<semaphore_mem>>, %arg14: memref<!tpu.dma_semaphore, #tpu.memory_space<semaphore_mem>>) attributes {dimension_semantics = [#tpu.dimension_semantics<core_parallel>, #tpu.dimension_semantics<subcore_parallel>], iteration_bounds = array<i64: 2, 16>, scalar_prefetch = 0 : i64, scratch_operands = 10 : i64, tpu.core_type = #tpu.core_type<sc_vector_subcore>, window_params = [{transform_indices = #map}, {transform_indices = #map1}, {transform_indices = #map1}]} {
    "tpu.trace_start"() <{level = 10 : i32, message = "acc_zero"}> : () -> ()
    %scan3A = arith.constant 0 : i32
    %scan3A_0 = arith.constant 0 : i32
    %scan3A_1 = arith.constant 64 : i32
    %scan3A_2 = arith.addi %scan3A_0, %scan3A_1 : i32
    %scan3A_3 = arith.constant 1 : i32
    scf.for %scan3A_116 = %scan3A_0 to %scan3A_2 step %scan3A_3  : i32 {
      %scan3A_117 = arith.constant 0 : i32
      %scan3A_118 = arith.constant 0 : i32
      %scan3A_119 = arith.constant 8 : i32
      %scan3A_120 = arith.addi %scan3A_118, %scan3A_119 : i32
      %scan3A_121 = arith.constant 1 : i32
      scf.for %scan3A_123 = %scan3A_118 to %scan3A_120 step %scan3A_121  : i32 {
        %broadcast_in_dim3A = arith.constant 0.000000e+00 : f32
        %broadcast_in_dim3A_124 = vector.broadcast %broadcast_in_dim3A : f32 to vector<16xf32>
        %mul3A_125 = arith.constant 16 : i32
        %mul3A_126 = arith.muli %scan3A_123, %mul3A_125 : i32
        %swap3A = arith.index_cast %scan3A_116 : i32 to index
        %swap3A_127 = arith.index_cast %mul3A_126 : i32 to index
        %swap3A_128 = tpu.vector_load %arg9[%swap3A, %swap3A_127] {strides = array<i32>} : memref<64x128xf32, #tpu.memory_space<vmem>>, vector<1x16xf32>,
        %swap3A_129 = vector.shape_cast %swap3A_128 : vector<1x16xf32> to vector<16xf32>
        %swap3A_130 = vector.shape_cast %broadcast_in_dim3A_124 : vector<16xf32> to vector<1x16xf32>
        tpu.vector_store %arg9[%swap3A, %swap3A_127], %swap3A_130 {strides = array<i32>} : memref<64x128xf32, #tpu.memory_space<vmem>>, vector<1x16xf32>,
      }
      %scan3A_122 = arith.constant 8 : i32
    }
    %scan3A_4 = arith.constant 64 : i32
    %scan3A_5 = arith.constant 0 : i32
    %scan3A_6 = arith.constant 0 : i32
    %scan3A_7 = arith.constant 10 : i32
    %scan3A_8 = arith.addi %scan3A_6, %scan3A_7 : i32
    %scan3A_9 = arith.constant 1 : i32
    scf.for %scan3A_116 = %scan3A_6 to %scan3A_8 step %scan3A_9  : i32 {
      %mul3A_117 = arith.constant 640 : i32
      %mul3A_118 = arith.muli %arg1, %mul3A_117 : i32
      %mul3A_119 = arith.constant 64 : i32
      %mul3A_120 = arith.muli %scan3A_116, %mul3A_119 : i32
      %add3A_121 = arith.addi %mul3A_118, %mul3A_120 : i32
      "tpu.region"() ({
        %run_scoped3A = tpu.sem_alloc : memref<!tpu.dma_semaphore, #tpu.memory_space<semaphore_mem>>
        %dma_start3A_122 = arith.constant 0 : i32
        %dma_start3A_123 = tpu.memref_slice %arg10[%add3A_121, %dma_start3A_122] : memref<10240x128xf32, #tpu.memory_space<vmem_shared>> -> memref<64x128xf32, #tpu.memory_space<vmem_shared>>
        %dma_start3A_124 = arith.constant 0 : i32
        %dma_start3A_125 = tpu.memref_slice %arg10[%add3A_121, %dma_start3A_124] : memref<10240x128xf32, #tpu.memory_space<vmem_shared>> -> memref<64x128xf32, #tpu.memory_space<vmem_shared>>
        tpu.enqueue_dma source(%arg9 : memref<64x128xf32, #tpu.memory_space<vmem>>) target(%dma_start3A_125 : memref<64x128xf32, #tpu.memory_space<vmem_shared>>) target_semaphore(%run_scoped3A : memref<!tpu.dma_semaphore, #tpu.memory_space<semaphore_mem>>)
        %dma_wait3A_126 = arith.constant 0 : i32
        %dma_wait3A_127 = tpu.memref_slice %arg10[%add3A_121, %dma_wait3A_126] : memref<10240x128xf32, #tpu.memory_space<vmem_shared>> -> memref<64x128xf32, #tpu.memory_space<vmem_shared>>
        %dma_wait3A_128 = arith.constant 0 : i32
        %dma_wait3A_129 = tpu.memref_slice %arg10[%add3A_121, %dma_wait3A_128] : memref<10240x128xf32, #tpu.memory_space<vmem_shared>> -> memref<64x128xf32, #tpu.memory_space<vmem_shared>>
        tpu.wait_dma2 semaphore(%run_scoped3A : memref<!tpu.dma_semaphore, #tpu.memory_space<semaphore_mem>>) src(%arg9 : memref<64x128xf32, #tpu.memory_space<vmem>>) dst(%dma_wait3A_129 : memref<64x128xf32, #tpu.memory_space<vmem_shared>>)
        tpu.yield
      }) : () -> ()
    }
    %scan3A_10 = arith.constant 10 : i32
    %barrier3A = arith.constant 0 : index
    tpu.barrier barrier_id(%barrier3A)
    "tpu.trace_stop"() : () -> ()
    %mul3A = arith.constant 2 : i32
    %mul3A_11 = arith.muli %arg1, %mul3A : i32
    %add3A = arith.addi %mul3A_11, %arg0 : i32
    %mul3A_12 = arith.constant 80 : i32
    %mul3A_13 = arith.muli %add3A, %mul3A_12 : i32
    "tpu.trace_start"() <{level = 10 : i32, message = "chunk_loop"}> : () -> ()
    "tpu.region"() ({
      %run_scoped3A = tpu.sem_alloc : memref<!tpu.dma_semaphore, #tpu.memory_space<semaphore_mem>>
      %dma_start3A_116 = arith.constant 0 : i32
      %dma_start3A_117 = arith.constant 0 : i32
      %dma_start3A_118 = tpu.memref_slice %arg2[%mul3A_13, %dma_start3A_116, %dma_start3A_117] : memref<2560x2x128xi32, #tpu.memory_space<hbm>> -> memref<1x2x128xi32, #tpu.memory_space<hbm>>
      %dma_start3A_119 = arith.constant 0 : i32
      %dma_start3A_120 = arith.constant 0 : i32
      %dma_start3A_121 = tpu.memref_slice %arg2[%mul3A_13, %dma_start3A_119, %dma_start3A_120] : memref<2560x2x128xi32, #tpu.memory_space<hbm>> -> memref<1x2x128xi32, #tpu.memory_space<hbm>>
      tpu.enqueue_dma source(%dma_start3A_121 : memref<1x2x128xi32, #tpu.memory_space<hbm>>) target(%arg5 : memref<1x2x128xi32, #tpu.memory_space<vmem>>) target_semaphore(%run_scoped3A : memref<!tpu.dma_semaphore, #tpu.memory_space<semaphore_mem>>)
      %dma_wait3A_122 = arith.constant 0 : i32
      %dma_wait3A_123 = arith.constant 0 : i32
      %dma_wait3A_124 = tpu.memref_slice %arg2[%mul3A_13, %dma_wait3A_122, %dma_wait3A_123] : memref<2560x2x128xi32, #tpu.memory_space<hbm>> -> memref<1x2x128xi32, #tpu.memory_space<hbm>>
      %dma_wait3A_125 = arith.constant 0 : i32
      %dma_wait3A_126 = arith.constant 0 : i32
      %dma_wait3A_127 = tpu.memref_slice %arg2[%mul3A_13, %dma_wait3A_125, %dma_wait3A_126] : memref<2560x2x128xi32, #tpu.memory_space<hbm>> -> memref<1x2x128xi32, #tpu.memory_space<hbm>>
      tpu.wait_dma2 semaphore(%run_scoped3A : memref<!tpu.dma_semaphore, #tpu.memory_space<semaphore_mem>>) src(%dma_wait3A_127 : memref<1x2x128xi32, #tpu.memory_space<hbm>>) dst(%arg5 : memref<1x2x128xi32, #tpu.memory_space<vmem>>)
      tpu.yield
    }) : () -> ()
    %dma_start3A = arith.constant 0 : i32
    %dma_start3A_14 = arith.constant 0 : i32
    %dma_start3A_15 = arith.constant 0 : i32
    %dma_start3A_16 = arith.constant 0 : i32
    %dma_start3A_17 = tpu.memref_slice %arg7[%dma_start3A_15, %dma_start3A_16] : memref<128x128xf32, #tpu.memory_space<vmem>> -> memref<128x128xf32, #tpu.memory_space<vmem>>
    %dma_start3A_18 = arith.constant 0 : i32
    %dma_start3A_19 = tpu.memref_slice %arg5[%dma_start3A, %dma_start3A_14, %dma_start3A_18] : memref<1x2x128xi32, #tpu.memory_space<vmem>> -> memref<1x1x128xi32, #tpu.memory_space<vmem>>
    %dma_start3A_20 = tpu.memref_squeeze %dma_start3A_19 : memref<1x1x128xi32, #tpu.memory_space<vmem>> -> memref<128xi32, #tpu.memory_space<vmem>>
    %dma_start3A_21 = arith.constant 0 : i32
    %dma_start3A_22 = arith.constant 0 : i32
    %dma_start3A_23 = tpu.memref_slice %arg3[%dma_start3A_21, %dma_start3A_22] : memref<10240x128xf32, #tpu.memory_space<hbm>> -> memref<10240x128xf32, #tpu.memory_space<hbm>>
    tpu.enqueue_indirect_dma source(%dma_start3A_23 : memref<10240x128xf32, #tpu.memory_space<hbm>>) target(%dma_start3A_17 : memref<128x128xf32, #tpu.memory_space<vmem>>) offsets(%dma_start3A_20 : memref<128xi32, #tpu.memory_space<vmem>>) semaphore(%arg11 : memref<!tpu.dma_semaphore, #tpu.memory_space<semaphore_mem>>)
    %add3A_24 = arith.constant 1 : i32
    %add3A_25 = arith.addi %mul3A_13, %add3A_24 : i32
    "tpu.region"() ({
      %run_scoped3A = tpu.sem_alloc : memref<!tpu.dma_semaphore, #tpu.memory_space<semaphore_mem>>
      %dma_start3A_116 = arith.constant 0 : i32
      %dma_start3A_117 = arith.constant 0 : i32
      %dma_start3A_118 = tpu.memref_slice %arg2[%add3A_25, %dma_start3A_116, %dma_start3A_117] : memref<2560x2x128xi32, #tpu.memory_space<hbm>> -> memref<1x2x128xi32, #tpu.memory_space<hbm>>
      %dma_start3A_119 = arith.constant 0 : i32
      %dma_start3A_120 = arith.constant 0 : i32
      %dma_start3A_121 = tpu.memref_slice %arg2[%add3A_25, %dma_start3A_119, %dma_start3A_120] : memref<2560x2x128xi32, #tpu.memory_space<hbm>> -> memref<1x2x128xi32, #tpu.memory_space<hbm>>
      tpu.enqueue_dma source(%dma_start3A_121 : memref<1x2x128xi32, #tpu.memory_space<hbm>>) target(%arg6 : memref<1x2x128xi32, #tpu.memory_space<vmem>>) target_semaphore(%run_scoped3A : memref<!tpu.dma_semaphore, #tpu.memory_space<semaphore_mem>>)
      %dma_wait3A_122 = arith.constant 0 : i32
      %dma_wait3A_123 = arith.constant 0 : i32
      %dma_wait3A_124 = tpu.memref_slice %arg2[%add3A_25, %dma_wait3A_122, %dma_wait3A_123] : memref<2560x2x128xi32, #tpu.memory_space<hbm>> -> memref<1x2x128xi32, #tpu.memory_space<hbm>>
      %dma_wait3A_125 = arith.constant 0 : i32
      %dma_wait3A_126 = arith.constant 0 : i32
      %dma_wait3A_127 = tpu.memref_slice %arg2[%add3A_25, %dma_wait3A_125, %dma_wait3A_126] : memref<2560x2x128xi32, #tpu.memory_space<hbm>> -> memref<1x2x128xi32, #tpu.memory_space<hbm>>
      tpu.wait_dma2 semaphore(%run_scoped3A : memref<!tpu.dma_semaphore, #tpu.memory_space<semaphore_mem>>) src(%dma_wait3A_127 : memref<1x2x128xi32, #tpu.memory_space<hbm>>) dst(%arg6 : memref<1x2x128xi32, #tpu.memory_space<vmem>>)
      tpu.yield
    }) : () -> ()
    %dma_start3A_26 = arith.constant 0 : i32
    %dma_start3A_27 = arith.constant 0 : i32
    %dma_start3A_28 = arith.constant 0 : i32
    %dma_start3A_29 = arith.constant 0 : i32
    %dma_start3A_30 = tpu.memref_slice %arg8[%dma_start3A_28, %dma_start3A_29] : memref<128x128xf32, #tpu.memory_space<vmem>> -> memref<128x128xf32, #tpu.memory_space<vmem>>
    %dma_start3A_31 = arith.constant 0 : i32
    %dma_start3A_32 = tpu.memref_slice %arg6[%dma_start3A_26, %dma_start3A_27, %dma_start3A_31] : memref<1x2x128xi32, #tpu.memory_space<vmem>> -> memref<1x1x128xi32, #tpu.memory_space<vmem>>
    %dma_start3A_33 = tpu.memref_squeeze %dma_start3A_32 : memref<1x1x128xi32, #tpu.memory_space<vmem>> -> memref<128xi32, #tpu.memory_space<vmem>>
    %dma_start3A_34 = arith.constant 0 : i32
    %dma_start3A_35 = arith.constant 0 : i32
    %dma_start3A_36 = tpu.memref_slice %arg3[%dma_start3A_34, %dma_start3A_35] : memref<10240x128xf32, #tpu.memory_space<hbm>> -> memref<10240x128xf32, #tpu.memory_space<hbm>>
    tpu.enqueue_indirect_dma source(%dma_start3A_36 : memref<10240x128xf32, #tpu.memory_space<hbm>>) target(%dma_start3A_30 : memref<128x128xf32, #tpu.memory_space<vmem>>) offsets(%dma_start3A_33 : memref<128xi32, #tpu.memory_space<vmem>>) semaphore(%arg12 : memref<!tpu.dma_semaphore, #tpu.memory_space<semaphore_mem>>)
    %dma_wait3A = arith.constant 0 : i32
    %dma_wait3A_37 = arith.constant 0 : i32
    %dma_wait3A_38 = arith.constant 0 : i32
    %dma_wait3A_39 = arith.constant 0 : i32
    %dma_wait3A_40 = tpu.memref_slice %arg7[%dma_wait3A_38, %dma_wait3A_39] : memref<128x128xf32, #tpu.memory_space<vmem>> -> memref<128x128xf32, #tpu.memory_space<vmem>>
    %dma_wait3A_41 = arith.constant 0 : i32
    %dma_wait3A_42 = tpu.memref_slice %arg5[%dma_wait3A, %dma_wait3A_37, %dma_wait3A_41] : memref<1x2x128xi32, #tpu.memory_space<vmem>> -> memref<1x1x128xi32, #tpu.memory_space<vmem>>
    %dma_wait3A_43 = tpu.memref_squeeze %dma_wait3A_42 : memref<1x1x128xi32, #tpu.memory_space<vmem>> -> memref<128xi32, #tpu.memory_space<vmem>>
    %dma_wait3A_44 = arith.constant 0 : i32
    %dma_wait3A_45 = arith.constant 0 : i32
    %dma_wait3A_46 = tpu.memref_slice %arg3[%dma_wait3A_44, %dma_wait3A_45] : memref<10240x128xf32, #tpu.memory_space<hbm>> -> memref<10240x128xf32, #tpu.memory_space<hbm>>
    tpu.wait_indirect_dma semaphore(%arg11 : memref<!tpu.dma_semaphore, #tpu.memory_space<semaphore_mem>>) src(%dma_wait3A_46 : memref<10240x128xf32, #tpu.memory_space<hbm>>) dst(%dma_wait3A_40 : memref<128x128xf32, #tpu.memory_space<vmem>>)
    %dma_start3A_47 = arith.constant 0 : i32
    %dma_start3A_48 = arith.constant 1 : i32
    %dma_start3A_49 = arith.constant 0 : i32
    %dma_start3A_50 = arith.constant 0 : i32
    %dma_start3A_51 = tpu.memref_slice %arg7[%dma_start3A_49, %dma_start3A_50] : memref<128x128xf32, #tpu.memory_space<vmem>> -> memref<128x128xf32, #tpu.memory_space<vmem>>
    %dma_start3A_52 = arith.constant 0 : i32
    %dma_start3A_53 = tpu.memref_slice %arg5[%dma_start3A_47, %dma_start3A_48, %dma_start3A_52] : memref<1x2x128xi32, #tpu.memory_space<vmem>> -> memref<1x1x128xi32, #tpu.memory_space<vmem>>
    %dma_start3A_54 = tpu.memref_squeeze %dma_start3A_53 : memref<1x1x128xi32, #tpu.memory_space<vmem>> -> memref<128xi32, #tpu.memory_space<vmem>>
    %dma_start3A_55 = arith.constant 0 : i32
    %dma_start3A_56 = arith.constant 0 : i32
    %dma_start3A_57 = tpu.memref_slice %arg10[%dma_start3A_55, %dma_start3A_56] : memref<10240x128xf32, #tpu.memory_space<vmem_shared>> -> memref<10240x128xf32, #tpu.memory_space<vmem_shared>>
    tpu.enqueue_indirect_dma source(%dma_start3A_51 : memref<128x128xf32, #tpu.memory_space<vmem>>) target(%dma_start3A_57 : memref<10240x128xf32, #tpu.memory_space<vmem_shared>>) offsets(%dma_start3A_54 : memref<128xi32, #tpu.memory_space<vmem>>) semaphore(%arg13 : memref<!tpu.dma_semaphore, #tpu.memory_space<semaphore_mem>>) {add = true}
    %scan3A_58 = arith.constant 0 : i32
    %scan3A_59 = arith.constant 1 : i32
    %scan3A_60 = arith.constant 39 : i32
    %scan3A_61 = arith.addi %scan3A_59, %scan3A_60 : i32
    %scan3A_62 = arith.constant 1 : i32
    scf.for %scan3A_116 = %scan3A_59 to %scan3A_61 step %scan3A_62  : i32 {
      %mul3A_117 = arith.constant 2 : i32
      %mul3A_118 = arith.muli %mul3A_117, %scan3A_116 : i32
      %add3A_119 = arith.addi %mul3A_13, %mul3A_118 : i32
      %dma_wait3A_120 = arith.constant 0 : i32
      %dma_wait3A_121 = arith.constant 1 : i32
      %dma_wait3A_122 = arith.constant 0 : i32
      %dma_wait3A_123 = arith.constant 0 : i32
      %dma_wait3A_124 = tpu.memref_slice %arg7[%dma_wait3A_122, %dma_wait3A_123] : memref<128x128xf32, #tpu.memory_space<vmem>> -> memref<128x128xf32, #tpu.memory_space<vmem>>
      %dma_wait3A_125 = arith.constant 0 : i32
      %dma_wait3A_126 = tpu.memref_slice %arg5[%dma_wait3A_120, %dma_wait3A_121, %dma_wait3A_125] : memref<1x2x128xi32, #tpu.memory_space<vmem>> -> memref<1x1x128xi32, #tpu.memory_space<vmem>>
      %dma_wait3A_127 = tpu.memref_squeeze %dma_wait3A_126 : memref<1x1x128xi32, #tpu.memory_space<vmem>> -> memref<128xi32, #tpu.memory_space<vmem>>
      %dma_wait3A_128 = arith.constant 0 : i32
      %dma_wait3A_129 = arith.constant 0 : i32
      %dma_wait3A_130 = tpu.memref_slice %arg10[%dma_wait3A_128, %dma_wait3A_129] : memref<10240x128xf32, #tpu.memory_space<vmem_shared>> -> memref<10240x128xf32, #tpu.memory_space<vmem_shared>>
      tpu.wait_indirect_dma semaphore(%arg13 : memref<!tpu.dma_semaphore, #tpu.memory_space<semaphore_mem>>) src(%dma_wait3A_124 : memref<128x128xf32, #tpu.memory_space<vmem>>) dst(%dma_wait3A_130 : memref<10240x128xf32, #tpu.memory_space<vmem_shared>>)
      "tpu.region"() ({
        %run_scoped3A = tpu.sem_alloc : memref<!tpu.dma_semaphore, #tpu.memory_space<semaphore_mem>>
        %dma_start3A_210 = arith.constant 0 : i32
        %dma_start3A_211 = arith.constant 0 : i32
        %dma_start3A_212 = tpu.memref_slice %arg2[%add3A_119, %dma_start3A_210, %dma_start3A_211] : memref<2560x2x128xi32, #tpu.memory_space<hbm>> -> memref<1x2x128xi32, #tpu.memory_space<hbm>>
        %dma_start3A_213 = arith.constant 0 : i32
        %dma_start3A_214 = arith.constant 0 : i32
        %dma_start3A_215 = tpu.memref_slice %arg2[%add3A_119, %dma_start3A_213, %dma_start3A_214] : memref<2560x2x128xi32, #tpu.memory_space<hbm>> -> memref<1x2x128xi32, #tpu.memory_space<hbm>>
        tpu.enqueue_dma source(%dma_start3A_215 : memref<1x2x128xi32, #tpu.memory_space<hbm>>) target(%arg5 : memref<1x2x128xi32, #tpu.memory_space<vmem>>) target_semaphore(%run_scoped3A : memref<!tpu.dma_semaphore, #tpu.memory_space<semaphore_mem>>)
        %dma_wait3A_216 = arith.constant 0 : i32
        %dma_wait3A_217 = arith.constant 0 : i32
        %dma_wait3A_218 = tpu.memref_slice %arg2[%add3A_119, %dma_wait3A_216, %dma_wait3A_217] : memref<2560x2x128xi32, #tpu.memory_space<hbm>> -> memref<1x2x128xi32, #tpu.memory_space<hbm>>
        %dma_wait3A_219 = arith.constant 0 : i32
        %dma_wait3A_220 = arith.constant 0 : i32
        %dma_wait3A_221 = tpu.memref_slice %arg2[%add3A_119, %dma_wait3A_219, %dma_wait3A_220] : memref<2560x2x128xi32, #tpu.memory_space<hbm>> -> memref<1x2x128xi32, #tpu.memory_space<hbm>>
        tpu.wait_dma2 semaphore(%run_scoped3A : memref<!tpu.dma_semaphore, #tpu.memory_space<semaphore_mem>>) src(%dma_wait3A_221 : memref<1x2x128xi32, #tpu.memory_space<hbm>>) dst(%arg5 : memref<1x2x128xi32, #tpu.memory_space<vmem>>)
        tpu.yield
      }) : () -> ()
      %dma_start3A_131 = arith.constant 0 : i32
      %dma_start3A_132 = arith.constant 0 : i32
      %dma_start3A_133 = arith.constant 0 : i32
      %dma_start3A_134 = arith.constant 0 : i32
      %dma_start3A_135 = tpu.memref_slice %arg7[%dma_start3A_133, %dma_start3A_134] : memref<128x128xf32, #tpu.memory_space<vmem>> -> memref<128x128xf32, #tpu.memory_space<vmem>>
      %dma_start3A_136 = arith.constant 0 : i32
      %dma_start3A_137 = tpu.memref_slice %arg5[%dma_start3A_131, %dma_start3A_132, %dma_start3A_136] : memref<1x2x128xi32, #tpu.memory_space<vmem>> -> memref<1x1x128xi32, #tpu.memory_space<vmem>>
      %dma_start3A_138 = tpu.memref_squeeze %dma_start3A_137 : memref<1x1x128xi32, #tpu.memory_space<vmem>> -> memref<128xi32, #tpu.memory_space<vmem>>
      %dma_start3A_139 = arith.constant 0 : i32
      %dma_start3A_140 = arith.constant 0 : i32
      %dma_start3A_141 = tpu.memref_slice %arg3[%dma_start3A_139, %dma_start3A_140] : memref<10240x128xf32, #tpu.memory_space<hbm>> -> memref<10240x128xf32, #tpu.memory_space<hbm>>
      tpu.enqueue_indirect_dma source(%dma_start3A_141 : memref<10240x128xf32, #tpu.memory_space<hbm>>) target(%dma_start3A_135 : memref<128x128xf32, #tpu.memory_space<vmem>>) offsets(%dma_start3A_138 : memref<128xi32, #tpu.memory_space<vmem>>) semaphore(%arg11 : memref<!tpu.dma_semaphore, #tpu.memory_space<semaphore_mem>>)
      %dma_wait3A_142 = arith.constant 0 : i32
      %dma_wait3A_143 = arith.constant 0 : i32
      %dma_wait3A_144 = arith.constant 0 : i32
      %dma_wait3A_145 = arith.constant 0 : i32
      %dma_wait3A_146 = tpu.memref_slice %arg8[%dma_wait3A_144, %dma_wait3A_145] : memref<128x128xf32, #tpu.memory_space<vmem>> -> memref<128x128xf32, #tpu.memory_space<vmem>>
      %dma_wait3A_147 = arith.constant 0 : i32
      %dma_wait3A_148 = tpu.memref_slice %arg6[%dma_wait3A_142, %dma_wait3A_143, %dma_wait3A_147] : memref<1x2x128xi32, #tpu.memory_space<vmem>> -> memref<1x1x128xi32, #tpu.memory_space<vmem>>
      %dma_wait3A_149 = tpu.memref_squeeze %dma_wait3A_148 : memref<1x1x128xi32, #tpu.memory_space<vmem>> -> memref<128xi32, #tpu.memory_space<vmem>>
      %dma_wait3A_150 = arith.constant 0 : i32
      %dma_wait3A_151 = arith.constant 0 : i32
      %dma_wait3A_152 = tpu.memref_slice %arg3[%dma_wait3A_150, %dma_wait3A_151] : memref<10240x128xf32, #tpu.memory_space<hbm>> -> memref<10240x128xf32, #tpu.memory_space<hbm>>
      tpu.wait_indirect_dma semaphore(%arg12 : memref<!tpu.dma_semaphore, #tpu.memory_space<semaphore_mem>>) src(%dma_wait3A_152 : memref<10240x128xf32, #tpu.memory_space<hbm>>) dst(%dma_wait3A_146 : memref<128x128xf32, #tpu.memory_space<vmem>>)
      %dma_start3A_153 = arith.constant 0 : i32
      %dma_start3A_154 = arith.constant 1 : i32
      %dma_start3A_155 = arith.constant 0 : i32
      %dma_start3A_156 = arith.constant 0 : i32
      %dma_start3A_157 = tpu.memref_slice %arg8[%dma_start3A_155, %dma_start3A_156] : memref<128x128xf32, #tpu.memory_space<vmem>> -> memref<128x128xf32, #tpu.memory_space<vmem>>
      %dma_start3A_158 = arith.constant 0 : i32
      %dma_start3A_159 = tpu.memref_slice %arg6[%dma_start3A_153, %dma_start3A_154, %dma_start3A_158] : memref<1x2x128xi32, #tpu.memory_space<vmem>> -> memref<1x1x128xi32, #tpu.memory_space<vmem>>
      %dma_start3A_160 = tpu.memref_squeeze %dma_start3A_159 : memref<1x1x128xi32, #tpu.memory_space<vmem>> -> memref<128xi32, #tpu.memory_space<vmem>>
      %dma_start3A_161 = arith.constant 0 : i32
      %dma_start3A_162 = arith.constant 0 : i32
      %dma_start3A_163 = tpu.memref_slice %arg10[%dma_start3A_161, %dma_start3A_162] : memref<10240x128xf32, #tpu.memory_space<vmem_shared>> -> memref<10240x128xf32, #tpu.memory_space<vmem_shared>>
      tpu.enqueue_indirect_dma source(%dma_start3A_157 : memref<128x128xf32, #tpu.memory_space<vmem>>) target(%dma_start3A_163 : memref<10240x128xf32, #tpu.memory_space<vmem_shared>>) offsets(%dma_start3A_160 : memref<128xi32, #tpu.memory_space<vmem>>) semaphore(%arg14 : memref<!tpu.dma_semaphore, #tpu.memory_space<semaphore_mem>>) {add = true}
      %dma_wait3A_164 = arith.constant 0 : i32
      %dma_wait3A_165 = arith.constant 1 : i32
      %dma_wait3A_166 = arith.constant 0 : i32
      %dma_wait3A_167 = arith.constant 0 : i32
      %dma_wait3A_168 = tpu.memref_slice %arg8[%dma_wait3A_166, %dma_wait3A_167] : memref<128x128xf32, #tpu.memory_space<vmem>> -> memref<128x128xf32, #tpu.memory_space<vmem>>
      %dma_wait3A_169 = arith.constant 0 : i32
      %dma_wait3A_170 = tpu.memref_slice %arg6[%dma_wait3A_164, %dma_wait3A_165, %dma_wait3A_169] : memref<1x2x128xi32, #tpu.memory_space<vmem>> -> memref<1x1x128xi32, #tpu.memory_space<vmem>>
      %dma_wait3A_171 = tpu.memref_squeeze %dma_wait3A_170 : memref<1x1x128xi32, #tpu.memory_space<vmem>> -> memref<128xi32, #tpu.memory_space<vmem>>
      %dma_wait3A_172 = arith.constant 0 : i32
      %dma_wait3A_173 = arith.constant 0 : i32
      %dma_wait3A_174 = tpu.memref_slice %arg10[%dma_wait3A_172, %dma_wait3A_173] : memref<10240x128xf32, #tpu.memory_space<vmem_shared>> -> memref<10240x128xf32, #tpu.memory_space<vmem_shared>>
      tpu.wait_indirect_dma semaphore(%arg14 : memref<!tpu.dma_semaphore, #tpu.memory_space<semaphore_mem>>) src(%dma_wait3A_168 : memref<128x128xf32, #tpu.memory_space<vmem>>) dst(%dma_wait3A_174 : memref<10240x128xf32, #tpu.memory_space<vmem_shared>>)
      %add3A_175 = arith.constant 1 : i32
      %add3A_176 = arith.addi %add3A_119, %add3A_175 : i32
      "tpu.region"() ({
        %run_scoped3A = tpu.sem_alloc : memref<!tpu.dma_semaphore, #tpu.memory_space<semaphore_mem>>
        %dma_start3A_210 = arith.constant 0 : i32
        %dma_start3A_211 = arith.constant 0 : i32
        %dma_start3A_212 = tpu.memref_slice %arg2[%add3A_176, %dma_start3A_210, %dma_start3A_211] : memref<2560x2x128xi32, #tpu.memory_space<hbm>> -> memref<1x2x128xi32, #tpu.memory_space<hbm>>
        %dma_start3A_213 = arith.constant 0 : i32
        %dma_start3A_214 = arith.constant 0 : i32
        %dma_start3A_215 = tpu.memref_slice %arg2[%add3A_176, %dma_start3A_213, %dma_start3A_214] : memref<2560x2x128xi32, #tpu.memory_space<hbm>> -> memref<1x2x128xi32, #tpu.memory_space<hbm>>
        tpu.enqueue_dma source(%dma_start3A_215 : memref<1x2x128xi32, #tpu.memory_space<hbm>>) target(%arg6 : memref<1x2x128xi32, #tpu.memory_space<vmem>>) target_semaphore(%run_scoped3A : memref<!tpu.dma_semaphore, #tpu.memory_space<semaphore_mem>>)
        %dma_wait3A_216 = arith.constant 0 : i32
        %dma_wait3A_217 = arith.constant 0 : i32
        %dma_wait3A_218 = tpu.memref_slice %arg2[%add3A_176, %dma_wait3A_216, %dma_wait3A_217] : memref<2560x2x128xi32, #tpu.memory_space<hbm>> -> memref<1x2x128xi32, #tpu.memory_space<hbm>>
        %dma_wait3A_219 = arith.constant 0 : i32
        %dma_wait3A_220 = arith.constant 0 : i32
        %dma_wait3A_221 = tpu.memref_slice %arg2[%add3A_176, %dma_wait3A_219, %dma_wait3A_220] : memref<2560x2x128xi32, #tpu.memory_space<hbm>> -> memref<1x2x128xi32, #tpu.memory_space<hbm>>
        tpu.wait_dma2 semaphore(%run_scoped3A : memref<!tpu.dma_semaphore, #tpu.memory_space<semaphore_mem>>) src(%dma_wait3A_221 : memref<1x2x128xi32, #tpu.memory_space<hbm>>) dst(%arg6 : memref<1x2x128xi32, #tpu.memory_space<vmem>>)
        tpu.yield
      }) : () -> ()
      %dma_start3A_177 = arith.constant 0 : i32
      %dma_start3A_178 = arith.constant 0 : i32
      %dma_start3A_179 = arith.constant 0 : i32
      %dma_start3A_180 = arith.constant 0 : i32
      %dma_start3A_181 = tpu.memref_slice %arg8[%dma_start3A_179, %dma_start3A_180] : memref<128x128xf32, #tpu.memory_space<vmem>> -> memref<128x128xf32, #tpu.memory_space<vmem>>
      %dma_start3A_182 = arith.constant 0 : i32
      %dma_start3A_183 = tpu.memref_slice %arg6[%dma_start3A_177, %dma_start3A_178, %dma_start3A_182] : memref<1x2x128xi32, #tpu.memory_space<vmem>> -> memref<1x1x128xi32, #tpu.memory_space<vmem>>
      %dma_start3A_184 = tpu.memref_squeeze %dma_start3A_183 : memref<1x1x128xi32, #tpu.memory_space<vmem>> -> memref<128xi32, #tpu.memory_space<vmem>>
      %dma_start3A_185 = arith.constant 0 : i32
      %dma_start3A_186 = arith.constant 0 : i32
      %dma_start3A_187 = tpu.memref_slice %arg3[%dma_start3A_185, %dma_start3A_186] : memref<10240x128xf32, #tpu.memory_space<hbm>> -> memref<10240x128xf32, #tpu.memory_space<hbm>>
      tpu.enqueue_indirect_dma source(%dma_start3A_187 : memref<10240x128xf32, #tpu.memory_space<hbm>>) target(%dma_start3A_181 : memref<128x128xf32, #tpu.memory_space<vmem>>) offsets(%dma_start3A_184 : memref<128xi32, #tpu.memory_space<vmem>>) semaphore(%arg12 : memref<!tpu.dma_semaphore, #tpu.memory_space<semaphore_mem>>)
      %dma_wait3A_188 = arith.constant 0 : i32
      %dma_wait3A_189 = arith.constant 0 : i32
      %dma_wait3A_190 = arith.constant 0 : i32
      %dma_wait3A_191 = arith.constant 0 : i32
      %dma_wait3A_192 = tpu.memref_slice %arg7[%dma_wait3A_190, %dma_wait3A_191] : memref<128x128xf32, #tpu.memory_space<vmem>> -> memref<128x128xf32, #tpu.memory_space<vmem>>
      %dma_wait3A_193 = arith.constant 0 : i32
      %dma_wait3A_194 = tpu.memref_slice %arg5[%dma_wait3A_188, %dma_wait3A_189, %dma_wait3A_193] : memref<1x2x128xi32, #tpu.memory_space<vmem>> -> memref<1x1x128xi32, #tpu.memory_space<vmem>>
      %dma_wait3A_195 = tpu.memref_squeeze %dma_wait3A_194 : memref<1x1x128xi32, #tpu.memory_space<vmem>> -> memref<128xi32, #tpu.memory_space<vmem>>
      %dma_wait3A_196 = arith.constant 0 : i32
      %dma_wait3A_197 = arith.constant 0 : i32
      %dma_wait3A_198 = tpu.memref_slice %arg3[%dma_wait3A_196, %dma_wait3A_197] : memref<10240x128xf32, #tpu.memory_space<hbm>> -> memref<10240x128xf32, #tpu.memory_space<hbm>>
      tpu.wait_indirect_dma semaphore(%arg11 : memref<!tpu.dma_semaphore, #tpu.memory_space<semaphore_mem>>) src(%dma_wait3A_198 : memref<10240x128xf32, #tpu.memory_space<hbm>>) dst(%dma_wait3A_192 : memref<128x128xf32, #tpu.memory_space<vmem>>)
      %dma_start3A_199 = arith.constant 0 : i32
      %dma_start3A_200 = arith.constant 1 : i32
      %dma_start3A_201 = arith.constant 0 : i32
      %dma_start3A_202 = arith.constant 0 : i32
      %dma_start3A_203 = tpu.memref_slice %arg7[%dma_start3A_201, %dma_start3A_202] : memref<128x128xf32, #tpu.memory_space<vmem>> -> memref<128x128xf32, #tpu.memory_space<vmem>>
      %dma_start3A_204 = arith.constant 0 : i32
      %dma_start3A_205 = tpu.memref_slice %arg5[%dma_start3A_199, %dma_start3A_200, %dma_start3A_204] : memref<1x2x128xi32, #tpu.memory_space<vmem>> -> memref<1x1x128xi32, #tpu.memory_space<vmem>>
      %dma_start3A_206 = tpu.memref_squeeze %dma_start3A_205 : memref<1x1x128xi32, #tpu.memory_space<vmem>> -> memref<128xi32, #tpu.memory_space<vmem>>
      %dma_start3A_207 = arith.constant 0 : i32
      %dma_start3A_208 = arith.constant 0 : i32
      %dma_start3A_209 = tpu.memref_slice %arg10[%dma_start3A_207, %dma_start3A_208] : memref<10240x128xf32, #tpu.memory_space<vmem_shared>> -> memref<10240x128xf32, #tpu.memory_space<vmem_shared>>
      tpu.enqueue_indirect_dma source(%dma_start3A_203 : memref<128x128xf32, #tpu.memory_space<vmem>>) target(%dma_start3A_209 : memref<10240x128xf32, #tpu.memory_space<vmem_shared>>) offsets(%dma_start3A_206 : memref<128xi32, #tpu.memory_space<vmem>>) semaphore(%arg13 : memref<!tpu.dma_semaphore, #tpu.memory_space<semaphore_mem>>) {add = true}
    }
    %scan3A_63 = arith.constant 39 : i32
    %dma_wait3A_64 = arith.constant 0 : i32
    %dma_wait3A_65 = arith.constant 0 : i32
    %dma_wait3A_66 = arith.constant 0 : i32
    %dma_wait3A_67 = arith.constant 0 : i32
    %dma_wait3A_68 = tpu.memref_slice %arg8[%dma_wait3A_66, %dma_wait3A_67] : memref<128x128xf32, #tpu.memory_space<vmem>> -> memref<128x128xf32, #tpu.memory_space<vmem>>
    %dma_wait3A_69 = arith.constant 0 : i32
    %dma_wait3A_70 = tpu.memref_slice %arg6[%dma_wait3A_64, %dma_wait3A_65, %dma_wait3A_69] : memref<1x2x128xi32, #tpu.memory_space<vmem>> -> memref<1x1x128xi32, #tpu.memory_space<vmem>>
    %dma_wait3A_71 = tpu.memref_squeeze %dma_wait3A_70 : memref<1x1x128xi32, #tpu.memory_space<vmem>> -> memref<128xi32, #tpu.memory_space<vmem>>
    %dma_wait3A_72 = arith.constant 0 : i32
    %dma_wait3A_73 = arith.constant 0 : i32
    %dma_wait3A_74 = tpu.memref_slice %arg3[%dma_wait3A_72, %dma_wait3A_73] : memref<10240x128xf32, #tpu.memory_space<hbm>> -> memref<10240x128xf32, #tpu.memory_space<hbm>>
    tpu.wait_indirect_dma semaphore(%arg12 : memref<!tpu.dma_semaphore, #tpu.memory_space<semaphore_mem>>) src(%dma_wait3A_74 : memref<10240x128xf32, #tpu.memory_space<hbm>>) dst(%dma_wait3A_68 : memref<128x128xf32, #tpu.memory_space<vmem>>)
    %dma_start3A_75 = arith.constant 0 : i32
    %dma_start3A_76 = arith.constant 1 : i32
    %dma_start3A_77 = arith.constant 0 : i32
    %dma_start3A_78 = arith.constant 0 : i32
    %dma_start3A_79 = tpu.memref_slice %arg8[%dma_start3A_77, %dma_start3A_78] : memref<128x128xf32, #tpu.memory_space<vmem>> -> memref<128x128xf32, #tpu.memory_space<vmem>>
    %dma_start3A_80 = arith.constant 0 : i32
    %dma_start3A_81 = tpu.memref_slice %arg6[%dma_start3A_75, %dma_start3A_76, %dma_start3A_80] : memref<1x2x128xi32, #tpu.memory_space<vmem>> -> memref<1x1x128xi32, #tpu.memory_space<vmem>>
    %dma_start3A_82 = tpu.memref_squeeze %dma_start3A_81 : memref<1x1x128xi32, #tpu.memory_space<vmem>> -> memref<128xi32, #tpu.memory_space<vmem>>
    %dma_start3A_83 = arith.constant 0 : i32
    %dma_start3A_84 = arith.constant 0 : i32
    %dma_start3A_85 = tpu.memref_slice %arg10[%dma_start3A_83, %dma_start3A_84] : memref<10240x128xf32, #tpu.memory_space<vmem_shared>> -> memref<10240x128xf32, #tpu.memory_space<vmem_shared>>
    tpu.enqueue_indirect_dma source(%dma_start3A_79 : memref<128x128xf32, #tpu.memory_space<vmem>>) target(%dma_start3A_85 : memref<10240x128xf32, #tpu.memory_space<vmem_shared>>) offsets(%dma_start3A_82 : memref<128xi32, #tpu.memory_space<vmem>>) semaphore(%arg14 : memref<!tpu.dma_semaphore, #tpu.memory_space<semaphore_mem>>) {add = true}
    %dma_wait3A_86 = arith.constant 0 : i32
    %dma_wait3A_87 = arith.constant 1 : i32
    %dma_wait3A_88 = arith.constant 0 : i32
    %dma_wait3A_89 = arith.constant 0 : i32
    %dma_wait3A_90 = tpu.memref_slice %arg7[%dma_wait3A_88, %dma_wait3A_89] : memref<128x128xf32, #tpu.memory_space<vmem>> -> memref<128x128xf32, #tpu.memory_space<vmem>>
    %dma_wait3A_91 = arith.constant 0 : i32
    %dma_wait3A_92 = tpu.memref_slice %arg5[%dma_wait3A_86, %dma_wait3A_87, %dma_wait3A_91] : memref<1x2x128xi32, #tpu.memory_space<vmem>> -> memref<1x1x128xi32, #tpu.memory_space<vmem>>
    %dma_wait3A_93 = tpu.memref_squeeze %dma_wait3A_92 : memref<1x1x128xi32, #tpu.memory_space<vmem>> -> memref<128xi32, #tpu.memory_space<vmem>>
    %dma_wait3A_94 = arith.constant 0 : i32
    %dma_wait3A_95 = arith.constant 0 : i32
    %dma_wait3A_96 = tpu.memref_slice %arg10[%dma_wait3A_94, %dma_wait3A_95] : memref<10240x128xf32, #tpu.memory_space<vmem_shared>> -> memref<10240x128xf32, #tpu.memory_space<vmem_shared>>
    tpu.wait_indirect_dma semaphore(%arg13 : memref<!tpu.dma_semaphore, #tpu.memory_space<semaphore_mem>>) src(%dma_wait3A_90 : memref<128x128xf32, #tpu.memory_space<vmem>>) dst(%dma_wait3A_96 : memref<10240x128xf32, #tpu.memory_space<vmem_shared>>)
    %dma_wait3A_97 = arith.constant 0 : i32
    %dma_wait3A_98 = arith.constant 1 : i32
    %dma_wait3A_99 = arith.constant 0 : i32
    %dma_wait3A_100 = arith.constant 0 : i32
    %dma_wait3A_101 = tpu.memref_slice %arg8[%dma_wait3A_99, %dma_wait3A_100] : memref<128x128xf32, #tpu.memory_space<vmem>> -> memref<128x128xf32, #tpu.memory_space<vmem>>
    %dma_wait3A_102 = arith.constant 0 : i32
    %dma_wait3A_103 = tpu.memref_slice %arg6[%dma_wait3A_97, %dma_wait3A_98, %dma_wait3A_102] : memref<1x2x128xi32, #tpu.memory_space<vmem>> -> memref<1x1x128xi32, #tpu.memory_space<vmem>>
    %dma_wait3A_104 = tpu.memref_squeeze %dma_wait3A_103 : memref<1x1x128xi32, #tpu.memory_space<vmem>> -> memref<128xi32, #tpu.memory_space<vmem>>
    %dma_wait3A_105 = arith.constant 0 : i32
    %dma_wait3A_106 = arith.constant 0 : i32
    %dma_wait3A_107 = tpu.memref_slice %arg10[%dma_wait3A_105, %dma_wait3A_106] : memref<10240x128xf32, #tpu.memory_space<vmem_shared>> -> memref<10240x128xf32, #tpu.memory_space<vmem_shared>>
    tpu.wait_indirect_dma semaphore(%arg14 : memref<!tpu.dma_semaphore, #tpu.memory_space<semaphore_mem>>) src(%dma_wait3A_101 : memref<128x128xf32, #tpu.memory_space<vmem>>) dst(%dma_wait3A_107 : memref<10240x128xf32, #tpu.memory_space<vmem_shared>>)
    "tpu.trace_stop"() : () -> ()
    "tpu.trace_start"() <{level = 10 : i32, message = "copyout"}> : () -> ()
    %barrier3A_108 = arith.constant 0 : index
    tpu.barrier barrier_id(%barrier3A_108)
    %mul3A_109 = arith.constant 640 : i32
    %mul3A_110 = arith.muli %arg1, %mul3A_109 : i32
    %mul3A_111 = arith.constant 10240 : i32
    %mul3A_112 = arith.muli %arg0, %mul3A_111 : i32
    %mul3A_113 = arith.constant 640 : i32
    %mul3A_114 = arith.muli %arg1, %mul3A_113 : i32
    %add3A_115 = arith.addi %mul3A_112, %mul3A_114 : i32
    "tpu.region"() ({
      %run_scoped3A = tpu.sem_alloc : memref<!tpu.dma_semaphore, #tpu.memory_space<semaphore_mem>>
      %dma_start3A_116 = arith.constant 0 : i32
      %dma_start3A_117 = tpu.memref_slice %arg4[%add3A_115, %dma_start3A_116] : memref<20480x128xf32, #tpu.memory_space<hbm>> -> memref<640x128xf32, #tpu.memory_space<hbm>>
      %dma_start3A_118 = arith.constant 0 : i32
      %dma_start3A_119 = tpu.memref_slice %arg10[%mul3A_110, %dma_start3A_118] : memref<10240x128xf32, #tpu.memory_space<vmem_shared>> -> memref<640x128xf32, #tpu.memory_space<vmem_shared>>
      tpu.enqueue_dma source(%dma_start3A_119 : memref<640x128xf32, #tpu.memory_space<vmem_shared>>) target(%dma_start3A_117 : memref<640x128xf32, #tpu.memory_space<hbm>>) target_semaphore(%run_scoped3A : memref<!tpu.dma_semaphore, #tpu.memory_space<semaphore_mem>>)
      %dma_wait3A_120 = arith.constant 0 : i32
      %dma_wait3A_121 = tpu.memref_slice %arg4[%add3A_115, %dma_wait3A_120] : memref<20480x128xf32, #tpu.memory_space<hbm>> -> memref<640x128xf32, #tpu.memory_space<hbm>>
      %dma_wait3A_122 = arith.constant 0 : i32
      %dma_wait3A_123 = tpu.memref_slice %arg10[%mul3A_110, %dma_wait3A_122] : memref<10240x128xf32, #tpu.memory_space<vmem_shared>> -> memref<640x128xf32, #tpu.memory_space<vmem_shared>>
      tpu.wait_dma2 semaphore(%run_scoped3A : memref<!tpu.dma_semaphore, #tpu.memory_space<semaphore_mem>>) src(%dma_wait3A_123 : memref<640x128xf32, #tpu.memory_space<vmem_shared>>) dst(%dma_wait3A_121 : memref<640x128xf32, #tpu.memory_space<hbm>>)
      tpu.yield
    }) : () -> ()
    "tpu.trace_stop"() : () -> ()
    return
  }
}

module attributes {stable_mosaic.version = 14 : i64} {
  func.func @_scale_kernel(%arg0: i32, %arg1: memref<2x1024xf32, #tpu.memory_space<vmem>>, %arg2: memref<1024x128xf32, #tpu.memory_space<vmem>>, %arg3: memref<1024x128xf32, #tpu.memory_space<vmem>>) attributes {dimension_semantics = [#tpu.dimension_semantics<arbitrary>], iteration_bounds = array<i64: 10>, scalar_prefetch = 0 : i64, scratch_operands = 0 : i64, tpu.core_type = #tpu.core_type<tc>, window_params = [{transform_indices = @transform_0, window_bounds = array<i64: 2, 1024>}, {transform_indices = @transform_1, window_bounds = array<i64: 1024, 128>}, {transform_indices = @transform_2, window_bounds = array<i64: 1024, 128>}]} {
    %get3A = arith.constant 0 : index
    %get3A_0 = arith.constant 0 : index
    %get3A_1 = vector.load %arg1[%get3A, %get3A_0] : memref<2x1024xf32, #tpu.memory_space<vmem>>, vector<1x1024xf32>
    %get3A_2 = vector.shape_cast %get3A_1 : vector<1x1024xf32> to vector<1024xf32>
    %get3A_3 = arith.constant 1 : index
    %get3A_4 = arith.constant 0 : index
    %get3A_5 = vector.load %arg1[%get3A_3, %get3A_4] : memref<2x1024xf32, #tpu.memory_space<vmem>>, vector<1x1024xf32>
    %get3A_6 = vector.shape_cast %get3A_5 : vector<1x1024xf32> to vector<1024xf32>
    %add3A = arith.addf %get3A_2, %get3A_6 : vector<1024xf32>
    %gt3A = arith.constant 0.000000e+00 : f32
    %gt3A_7 = vector.broadcast %gt3A : f32 to vector<1024xf32>
    %gt3A_8 = arith.cmpf ogt, %add3A, %gt3A_7 : vector<1024xf32>
    %max3A = arith.constant 1.000000e+00 : f32
    %max3A_9 = vector.broadcast %max3A : f32 to vector<1024xf32>
    %max3A_10 = arith.maximumf %add3A, %max3A_9 : vector<1024xf32>
    %rsqrt3A = math.rsqrt %max3A_10 : vector<1024xf32>
    %jit3A = arith.constant 0.000000e+00 : f32
    %broadcast_in_dim3A = vector.broadcast %jit3A : f32 to vector<1024xf32>
    %select_n3A = arith.select %gt3A_8, %rsqrt3A, %broadcast_in_dim3A : vector<1024xi1>, vector<1024xf32>
    %get3A_11 = arith.constant 0 : index
    %get3A_12 = arith.constant 0 : index
    %get3A_13 = vector.load %arg2[%get3A_11, %get3A_12] : memref<1024x128xf32, #tpu.memory_space<vmem>>, vector<1024x128xf32>
    %broadcast_in_dim3A_14 = vector.shape_cast %select_n3A : vector<1024xf32> to vector<1024x1xf32>
    %mul3A = vector.broadcast %broadcast_in_dim3A_14 : vector<1024x1xf32> to vector<1024x128xf32>
    %mul3A_15 = arith.mulf %get3A_13, %mul3A : vector<1024x128xf32>
    %swap3A = arith.constant 0 : index
    %swap3A_16 = arith.constant 0 : index
    %swap3A_17 = vector.load %arg3[%swap3A, %swap3A_16] : memref<1024x128xf32, #tpu.memory_space<vmem>>, vector<1024x128xf32>
    tpu.vector_store %arg3[%swap3A, %swap3A_16], %mul3A_15 {strides = array<i32>} : memref<1024x128xf32, #tpu.memory_space<vmem>>, vector<1024x128xf32>,
    return
  }
  func.func @transform_0(%arg0: i32) -> (i32, i32) {
    %c0_i32 = arith.constant 0 : i32
    %c0_i32_0 = arith.constant 0 : i32
    return %c0_i32, %arg0 : i32, i32
  }
  func.func @transform_1(%arg0: i32) -> (i32, i32) {
    %c0_i32 = arith.constant 0 : i32
    %c0_i32_0 = arith.constant 0 : i32
    return %arg0, %c0_i32 : i32, i32
  }
  func.func @transform_2(%arg0: i32) -> (i32, i32) {
    %c0_i32 = arith.constant 0 : i32
    %c0_i32_0 = arith.constant 0 : i32
    return %arg0, %c0_i32 : i32, i32
  }
}

module attributes {stable_mosaic.version = 14 : i64} {
  func.func @_combine_kernel(%arg0: i32, %arg1: memref<2x1024x128xf32, #tpu.memory_space<vmem>>, %arg2: memref<2x1024xf32, #tpu.memory_space<vmem>>, %arg3: memref<1024x128xf32, #tpu.memory_space<vmem>>) attributes {dimension_semantics = [#tpu.dimension_semantics<arbitrary>], iteration_bounds = array<i64: 10>, scalar_prefetch = 0 : i64, scratch_operands = 0 : i64, tpu.core_type = #tpu.core_type<tc>, window_params = [{transform_indices = @transform_0, window_bounds = array<i64: 2, 1024, 128>}, {transform_indices = @transform_1, window_bounds = array<i64: 2, 1024>}, {transform_indices = @transform_2, window_bounds = array<i64: 1024, 128>}]} {
    %get3A = arith.constant 0 : index
    %get3A_0 = arith.constant 0 : index
    %get3A_1 = vector.load %arg2[%get3A, %get3A_0] : memref<2x1024xf32, #tpu.memory_space<vmem>>, vector<1x1024xf32>
    %get3A_2 = vector.shape_cast %get3A_1 : vector<1x1024xf32> to vector<1024xf32>
    %get3A_3 = arith.constant 1 : index
    %get3A_4 = arith.constant 0 : index
    %get3A_5 = vector.load %arg2[%get3A_3, %get3A_4] : memref<2x1024xf32, #tpu.memory_space<vmem>>, vector<1x1024xf32>
    %get3A_6 = vector.shape_cast %get3A_5 : vector<1x1024xf32> to vector<1024xf32>
    %add3A = arith.addf %get3A_2, %get3A_6 : vector<1024xf32>
    %gt3A = arith.constant 0.000000e+00 : f32
    %gt3A_7 = vector.broadcast %gt3A : f32 to vector<1024xf32>
    %gt3A_8 = arith.cmpf ogt, %add3A, %gt3A_7 : vector<1024xf32>
    %max3A = arith.constant 1.000000e+00 : f32
    %max3A_9 = vector.broadcast %max3A : f32 to vector<1024xf32>
    %max3A_10 = arith.maximumf %add3A, %max3A_9 : vector<1024xf32>
    %rsqrt3A = math.rsqrt %max3A_10 : vector<1024xf32>
    %jit3A = arith.constant 0.000000e+00 : f32
    %broadcast_in_dim3A = vector.broadcast %jit3A : f32 to vector<1024xf32>
    %select_n3A = arith.select %gt3A_8, %rsqrt3A, %broadcast_in_dim3A : vector<1024xi1>, vector<1024xf32>
    %get3A_11 = arith.constant 0 : index
    %get3A_12 = arith.constant 0 : index
    %get3A_13 = arith.constant 0 : index
    %get3A_14 = vector.load %arg1[%get3A_11, %get3A_12, %get3A_13] : memref<2x1024x128xf32, #tpu.memory_space<vmem>>, vector<1x1024x128xf32>
    %get3A_15 = vector.shape_cast %get3A_14 : vector<1x1024x128xf32> to vector<1024x128xf32>
    %get3A_16 = arith.constant 1 : index
    %get3A_17 = arith.constant 0 : index
    %get3A_18 = arith.constant 0 : index
    %get3A_19 = vector.load %arg1[%get3A_16, %get3A_17, %get3A_18] : memref<2x1024x128xf32, #tpu.memory_space<vmem>>, vector<1x1024x128xf32>
    %get3A_20 = vector.shape_cast %get3A_19 : vector<1x1024x128xf32> to vector<1024x128xf32>
    %add3A_21 = arith.addf %get3A_15, %get3A_20 : vector<1024x128xf32>
    %broadcast_in_dim3A_22 = vector.shape_cast %select_n3A : vector<1024xf32> to vector<1024x1xf32>
    %mul3A = vector.broadcast %broadcast_in_dim3A_22 : vector<1024x1xf32> to vector<1024x128xf32>
    %mul3A_23 = arith.mulf %add3A_21, %mul3A : vector<1024x128xf32>
    %swap3A = arith.constant 0 : index
    %swap3A_24 = arith.constant 0 : index
    %swap3A_25 = vector.load %arg3[%swap3A, %swap3A_24] : memref<1024x128xf32, #tpu.memory_space<vmem>>, vector<1024x128xf32>
    tpu.vector_store %arg3[%swap3A, %swap3A_24], %mul3A_23 {strides = array<i32>} : memref<1024x128xf32, #tpu.memory_space<vmem>>, vector<1024x128xf32>,
    return
  }
  func.func @transform_0(%arg0: i32) -> (i32, i32, i32) {
    %c0_i32 = arith.constant 0 : i32
    %c0_i32_0 = arith.constant 0 : i32
    %c0_i32_1 = arith.constant 0 : i32
    return %c0_i32, %arg0, %c0_i32_0 : i32, i32, i32
  }
  func.func @transform_1(%arg0: i32) -> (i32, i32) {
    %c0_i32 = arith.constant 0 : i32
    %c0_i32_0 = arith.constant 0 : i32
    return %c0_i32, %arg0 : i32, i32
  }
  func.func @transform_2(%arg0: i32) -> (i32, i32) {
    %c0_i32 = arith.constant 0 : i32
    %c0_i32_0 = arith.constant 0 : i32
    return %arg0, %c0_i32 : i32, i32
  }
}

</mosaic_0001>

<sc_bundles>
// kernel: kernel.6.cloned.1.call-start
scs
__scs_entry_jumppad:
0x0: {  	(pc) =	sbr.rel $0x88, $3  }
0x1: {  	(tag) =	ssettag $0x0;
	lr =	simm.s32 $0x1  }
0x2: {  	[smem:$0x3F9F] =	sst lr;
	_ =	strace $0xD0000000  }
0x3: {  	_ = 	snop  }
0x4: {  	_ = 	snop  }
0x5: {  	_ = 	snop  }
0x6: {  	_ = 	snop  }
0x7: {  	_ = 	snop  }
__scs_overlays_trampoline_lowered:
0x8: {  	[smem:$0x3FAE] =	sst s0  }
0x9: {  	[smem:$0x3FAF] =	sst s1  }
0xa: {  	[smem:$0x3FB0] =	sst s2  }
0xb: {  	[smem:$0x3FB1] =	sst s3  }
0xc: {  	[smem:$0x3FB2] =	sst s4  }
0xd: {  	[smem:$0x3FB3] =	sst s5  }
0xe: {  	[smem:$0x3FB4] =	sst s6  }
0xf: {  	[smem:$0x3FB5] =	sst s7  }
0x10: {  	[smem:$0x3FB6] =	sst s8  }
0x11: {  	[smem:$0x3FB7] =	sst s9;
	s0 =	simm.s32 @!p0 $0x0  }
0x12: {  	s1 =	sld [smem:$0x3F9D];
	s0 =	simm.s32 @p0 $0x1  }
0x13: {  	[smem:$0x3FB8] =	sst s0;
	s0 =	simm.s32 @!p1 $0x0  }
0x14: {  	s2 =	sld [smem:$0x3F9C];
	s0 =	simm.s32 @p1 $0x1  }
0x15: {  	[smem:$0x3FB9] =	sst s0;
	s0 =	simm.s32 @!p2 $0x0  }
0x16: {  	s3 =	sld [smem:$0x3FDB];
	s0 =	simm.s32 @p2 $0x1  }
0x17: {  	s4 =	simm.s32 $0x1BF5;
	[smem:$0x3FBB] =	sst s0  }
0x18: {  	s0 =	sld [smem:$0x3F9E];
	_ =	swait.ge [sflag:s4], $0x0  }
0x19: {  	s7 =	sld [smem:$0x3F9F]  }
0x1a: {  	s8 =	sadd.s32 $0xFFFFE003, lr  }
0x1b: {  	s9 =	sadd.s32 $0xFFFFFEF7, lr;
	s5 =	simm.s32 $0xFFFFFFFF;
	p2 =	slt.u32 s8, $0xFFFFF086  }
0x1c: {  	p1 =	slt.u32 s9, $0xF7A;
	s5 =	simm.s32 @!p2 $0x0  }
0x1d: {  	s5 =	simm.s32 @p1 $0x1;
	p0 =	seq.s32 s7, s2  }
0x1e: {  	s7 =	smul.u32 @!p0 $0xF7A, s2;
	p2 =	seq.s32 @!p0 s5, $0x0  }
0x1f: {  	s9 =	smul.u32 $0xF7A, s1;
	s8 =	simm.s32 @!p0 $0x1BF5;
	p2 =	por !p2, p0  }
0x20: {  	[sflag:s8] =	ssyncset.s32 @!p0 $0xFFFFF086;
	s6 =	sadd.s32 @!p0 s3, s7;
	s7 =	simm.s32 @!p0 $0x108  }
0x21: {  	s3 =	sadd.s32 s3, s9;
	s6 =	sadd.s32 @!p0 $0x88, s6;
	s7 =	simm.s32 @p2 $0x1082  }
0x22: {  	[simem:s7], [sflag:s8] =	dma.local @!p0 [hbm:s6], $0xF7A  }
0x23: {  	s9 =	sor.u32 $0xD0000000, s2;
	s6 =	simm.s32 $0x108;
	_ =	swait.ge @!p0 [sflag:s8], $0x0  }
0x24: {  	s3 =	sadd.s32 $0x88, s3;
	s6 =	simm.s32 @!p1 $0x1082;
	[sflag:s4] =	ssyncset.s32 $0xFFFFF086  }
0x25: {  	[simem:s6], [sflag:s4] =	dma.local [hbm:s3], $0xF7A  }
0x26: {  	[smem:$0x3F9F] =	sst s1;
	(tag) =	ssettag s2;
	_ =	strace s9  }
0x27: {  	s1 =	sld [smem:$0x3FAF]  }
0x28: {  	s2 =	sld [smem:$0x3FB0]  }
0x29: {  	s4 =	sld [smem:$0x3FB2]  }
0x2a: {  	p0 =	seq.s32 s5, $0x0;
	s5 =	sld [smem:$0x3FB3]  }
0x2b: {  	s6 =	sld [smem:$0x3FB4]  }
0x2c: {  	s7 =	sld [smem:$0x3FB5]  }
0x2d: {  	s3 =	simm.s32 $0x108;
	s8 =	sld [smem:$0x3FB6]  }
0x2e: {  	s3 =	simm.s32 @!p0 $0x1082;
	s9 =	sld [smem:$0x3FB7]  }
0x2f: {  	lr =	sadd.s32 s0, s3;
	s0 =	sld [smem:$0x3FAE]  }
0x30: {  	s3 =	sld [smem:$0x3FB1]  }
0x31: {  	[smem:$0x3FBA] =	sst s10  }
0x32: {  	s10 =	sld [smem:$0x3FB8];
	_ =	sdelay $0x3  }
0x33: {  	p0 =	seq.s32 s10, $0x1;
	s10 =	sld [smem:$0x3FBA];
	_ =	sdelay $0x3  }
0x34: {  	[smem:$0x3FBA] =	sst s10  }
0x35: {  	s10 =	sld [smem:$0x3FB9];
	_ =	sdelay $0x3  }
0x36: {  	p1 =	seq.s32 s10, $0x1;
	s10 =	sld [smem:$0x3FBA];
	_ =	sdelay $0x3  }
0x37: {  	[smem:$0x3FBA] =	sst s10  }
0x38: {  	s10 =	sld [smem:$0x3FBB]  }
0x39: {  	_ = 	snop;
	(pc) =	sbr.ind lr, $3  }
0x3a: {  	_ = 	snop  }
0x3b: {  	_ = 	snop  }
0x3c: {  	p2 =	seq.s32 s10, $0x1;
	s10 =	sld [smem:$0x3FBA]  }
0x3d: {  	_ =	shalt  }
0x3e: {  	_ =	shalt  }
0x3f: {  	_ =	shalt  }
0x40: {  	_ =	shalt  }
0x41: {  	_ =	shalt  }
0x42: {  	_ =	shalt  }
0x43: {  	_ =	shalt  }
0x44: {  	_ =	shalt  }
0x45: {  	_ =	shalt  }
0x46: {  	_ =	shalt  }
0x47: {  	_ =	shalt  }
0x48: {  	_ =	shalt  }
0x49: {  	_ =	shalt  }
0x4a: {  	_ =	shalt  }
0x4b: {  	_ =	shalt  }
0x4c: {  	_ =	shalt  }
0x4d: {  	_ =	shalt  }
0x4e: {  	_ =	shalt  }
0x4f: {  	_ =	shalt  }
0x50: {  	_ =	shalt  }
0x51: {  	_ =	shalt  }
0x52: {  	_ =	shalt  }
0x53: {  	_ =	shalt  }
0x54: {  	_ =	shalt  }
0x55: {  	_ =	shalt  }
0x56: {  	_ =	shalt  }
0x57: {  	_ =	shalt  }
0x58: {  	_ =	shalt  }
0x59: {  	_ =	shalt  }
0x5a: {  	_ =	shalt  }
0x5b: {  	_ =	shalt  }
0x5c: {  	_ =	shalt  }
0x5d: {  	_ =	shalt  }
0x5e: {  	_ =	shalt  }
0x5f: {  	_ =	shalt  }
0x60: {  	_ =	shalt  }
0x61: {  	_ =	shalt  }
0x62: {  	_ =	shalt  }
0x63: {  	_ =	shalt  }
0x64: {  	_ =	shalt  }
0x65: {  	_ =	shalt  }
0x66: {  	_ =	shalt  }
0x67: {  	_ =	shalt  }
0x68: {  	_ =	shalt  }
0x69: {  	_ =	shalt  }
0x6a: {  	_ =	shalt  }
0x6b: {  	_ =	shalt  }
0x6c: {  	_ =	shalt  }
0x6d: {  	_ =	shalt  }
0x6e: {  	_ =	shalt  }
0x6f: {  	_ =	shalt  }
0x70: {  	_ =	shalt  }
0x71: {  	_ =	shalt  }
0x72: {  	_ =	shalt  }
0x73: {  	_ =	shalt  }
0x74: {  	_ =	shalt  }
0x75: {  	_ =	shalt  }
0x76: {  	_ =	shalt  }
0x77: {  	_ =	shalt  }
0x78: {  	_ =	shalt  }
0x79: {  	_ =	shalt  }
0x7a: {  	_ =	shalt  }
0x7b: {  	_ =	shalt  }
0x7c: {  	_ =	shalt  }
0x7d: {  	_ =	shalt  }
0x7e: {  	_ =	shalt  }
0x7f: {  	_ =	shalt  }
0x80: {  	_ =	shalt  }
0x81: {  	_ =	shalt  }
0x82: {  	_ =	shalt  }
0x83: {  	_ =	shalt  }
0x84: {  	_ =	shalt  }
0x85: {  	_ =	shalt  }
0x86: {  	_ =	shalt  }
0x87: {  	_ =	shalt  }
.Lfunc_end0:
.L_simem_size_0:
called_computation_lowered:
.L_overlay_start_0:
0x88: {  	s2 =	sld [smem:$0x3FD9]  }
0x89: {  	s3 =	sld [smem:$0x3FFE];
	_ =	sdelay $0x1  }
0x8a: {  	s1 =	srdreg.scid  }
0x8b: {  	s0 =	sand.u32 $0x1, s1  }
0x8c: {  	s16 =	sshll.u32 s0, $0xA;
	s2 =	sadd.s32 s3, s2  }
0x8d: {  	s2 =	sadd.s32 s2, s16  }
0x8e: {  	[smem:$0x3FC6] =	sst s2  }
0x8f: {  	_ = 	snop  }
0x90: {  	(tm) =	ssettm $0x1  }
0x91: {  	s17 =	sld [smem:$0x3FFB];
	_ =	sdelay $0x3  }
0x92: {  	_ =	strace s17  }
0x93: {  	s2 =	sld [smem:$0x3FFC];
	_ =	sdelay $0x3  }
0x94: {  	_ =	strace s2  }
0x95: {  	s2 =	sld [smem:$0x3FFD];
	_ =	sdelay $0x3  }
0x96: {  	_ =	strace s2  }
0x97: {  	_ =	strace $0x8FFFFFFF  }
0x98: {  	s18 =	sld [smem:$0x3FDB];
	_ =	sdelay $0x1  }
0x99: {  	s19 =	simm.s32 $_scs_section_size  }
0x9a: {  	s4 =	simm.s32 $_size__tile_overlayer_lowered;
	s5 =	simm.s32 $_tile_overlayer_lowered  }
0x9b: {  	s22 =	simm.s32 $0x1BFF;
	s21 =	sshll.u32 s5, $0x1;
	s2 =	sadd.s32 s19, s18  }
0x9c: {  	s6 =	simm.s32 $0x0;
	s20 =	sshll.u32 s4, $0x1;
	s4 =	sadd.s32 s21, s2  }
0x9d: {  	[timem:s6], [sflag:s22] =	dma.local [hbm:s4], s20  }
0x9e: {  	_ =	swait.ge [sflag:s22], s20  }
0x9f: {  	s3 =	ssub.s32 $0x0, s20;
	[sflag:s22] =	ssyncset.done $0x0  }
0xa0: {  	[sflag:s22] =	ssyncadd.s32 s3;
	_ =	sdelay $0x1  }
0xa1: {  	s23 =	simm.s32 $0x1B8B  }
0xa2: {  	_ =	swait.ge [sflag:s23], $0x1  }
0xa3: {  	[sflag:s23] =	ssyncset.done $0x0  }
0xa4: {  	s25 =	simm.s32 $0x1B8E;
	s24 =	sld [smem:$0x3FFE];
	[sflag:s23] =	ssyncadd.s32 $0xFFFFFFFF  }
0xa5: {  	s26 =	simm.s32 $execute0_lowered;
	[smem:$0x3FD2] =	sst s25  }
0xa6: {  	s4 =	sshll.u32 s26, $0x1;
	_ =	strace $0x80000046;
	[dreg:$0x1] =	wrdreg $0xFFFFFFFF  }
0xa7: {  	s28 =	simm.s32 $_size_execute0_lowered;
	s2 =	sadd.s32 s2, s4;
	[dreg:$0x0] =	wrdreg $0x0  }
0xa8: {  	s4 =	sshll.u32 s28, $0x1;
	[dreg:$0x2] =	wrdreg s2  }
0xa9: {  	[dreg:$0x3] =	wrdreg s4  }
0xaa: {  	[dreg:$0x4] =	wrdreg $0xC0  }
0xab: {  	_ =	task [dreg:s6], $0x5FFFF  }
0xac: {  	[dreg:$0x1] =	wrdreg $0xFFFFFFFF  }
0xad: {  	[dreg:$0x0] =	wrdreg $0x60  }
0xae: {  	[dreg:$0x2] =	wrdreg s24  }
0xaf: {  	[dreg:$0x3] =	wrdreg $0xB000  }
0xb0: {  	[dreg:$0x4] =	wrdreg $0x9  }
0xb1: {  	_ =	task.clear_ibuf [dreg:s6], $0x5FFFF;
	_ =	strace $0x90000046  }
0xb2: {  	s29 =	simm.s32 $0x9;
	_ =	strace $0x80000048  }
0xb3: {  	_ =	swait.ge [sflag:s29], $0x1  }
0xb4: {  	[sflag:s29] =	ssyncadd.s32 $0xFFFFFFFF  }
0xb5: {  	_ =	strace $0x90000048  }
0xb6: {  	_ =	sfence  }
0xb7: {  	s30 =	sld [smem:$0x0];
	_ =	sdelay $0x2  }
0xb8: {  	s31 =	sshll.u32 s1, $0xD;
	s1 =	sshrl.u32 s1, $0x2  }
0xb9: {  	s3 =	sand.u32 $0x4000, s31;
	s1 =	sadd.s32 s1, s30  }
0xba: {  	s0 =	sor.u32 s3, s0;
	s1 =	sshll.u32 s1, $0x11  }
0xbb: {  	s0 =	sor.u32 s1, s0  }
0xbc: {  	s0 =	sadd.s32 $0x8F2B, s0  }
0xbd: {  	[sflag:s0] =	ssyncadd.remote.s32 $0x1  }
0xbe: {  	_ =	sfence.sel $0xFFFF  }
0xbf: {  	[dreg:$0x0] =	wrdreg $0xFFFFFFFF;
	(pc) =	sbr.abs _section_cstart, $3  }
0xc0: {  	[dreg:$0x1] =	wrdreg $0xFFFFFFFF  }
0xc1: {  	_ =	task.clear_ibuf [dreg:s6], $0x2FFFF;
	_ =	strace $0x9FFFFFFF  }
0xc2: {  	(tm) =	ssettm $0x7FFFFFFF  }
0xc3: {  	_ =	shalt  }
tec
execute0_lowered:
.L_overlay_start_1:
0x0: {  	(tag) =	ssettag $0x1  }
0x1: {  	s0 =	rddreg [dreg:$0x0];
	s1 =	srdreg.scid  }
0x2: {  	s10 =	stileid.u32;
	s2 =	rddreg [dreg:$0x1];
	s3 =	simm.s32 $0x0  }
0x3: {  	s11 =	simm.s32 $0x5;
	s12 =	simm.s32 $0x400;
	s13 =	simm.s32 $0x1  }
0x4: {  	s14 =	simm.s32 $0x80;
	s15 =	simm.s32 $0x800;
	s16 =	simm.s32 $0x100  }
0x5: {  	s17 =	simm.s32 $0x180;
	s18 =	simm.s32 $0x200;
	s19 =	simm.s32 $0x280  }
0x6: {  	s20 =	simm.s32 $0x300;
	s21 =	simm.s32 $0x380;
	s22 =	simm.s32 $0x3  }
0x7: {  	s28 =	simm.s32 $0x600;
	s29 =	simm.s32 $0x680;
	s30 =	simm.s32 $0x700  }
0x8: {  	s31 =	simm.s32 $0x780;
	s1 =	sand.u32 $0x1, s1;
	s5 =	smul.u32 $0x280, s10  }
0x9: {  	[smem:$0x7FF] =	sst s3;
	s6 =	sshll.u32 s10, $0x1;
	s24 =	smul.u32 $0xA00, s10  }
0xa: {  	s9 =	sadd.s32 $0x1600, s0;
	s10 =	simm.s32 $0x0;
	s4 =	smul.u32 $0x2800, s1  }
0xb: {  	s6 =	sor.u32 s1, s6;
	s7 =	ssub.s32 $0x2, s1;
	s1 =	smul.u32 $0x500, s1  }
0xc: {  	_ =	strace $0x80000047;
	s6 =	smul.u32 $0x500, s6;
	s23 =	sshrl.u32 s7, $0x1  }
0xd: {  	s26 =	sadd.s32 s24, s9;
	s24 =	simm.s32 $0x480;
	s4 =	sadd.s32 s5, s4  }
0xe: {  	s8 =	ssub.s32 s7, s23;
	s5 =	sadd.s32 s5, s2;
	s4 =	sshrl.u32 s4, $0x3  }
0xf: {  	s23 =	simm.s32 $0x2;
	s0 =	sadd.s32 s4, s0;
	s4 =	sadd.s32 s9, s6  }
0x10: {  	s8 =	smax.u32 s8, $0x1;
	s9 =	sadd.s32 s1, s26;
	s25 =	sadd.s32 $0x80, s4  }
0x11: {  	s26 =	simm.s32 $0x580;
	s0 =	sadd.s32 $0xB600, s0;
	[dreg:$0x3] =	wrdreg s25  }
0x12: {  	v0 =	vimm.f32 $1.000000000e+00;
	v1 =	vimm.f32 $0.0e+00;
	s1 =	simm.s32 $0x4;
	[dreg:$0x4] =	wrdreg s0;
	s25 =	simm.s32 $0x500  }
.LBB2_1:
0x13: {  	[tilespmem:$0x800] =	vst v0  }
0x14: {  	[tilespmem:$0x810] =	vst v0  }
0x15: {  	[tilespmem:$0x820] =	vst v0  }
0x16: {  	[tilespmem:$0x830] =	vst v0  }
0x17: {  	[tilespmem:$0x840] =	vst v0  }
0x18: {  	[tilespmem:$0x850] =	vst v0  }
0x19: {  	[tilespmem:$0x860] =	vst v0  }
0x1a: {  	[tilespmem:$0x870] =	vst v0  }
0x1b: {  	[tilespmem:$0x880] =	vst v1  }
0x1c: {  	[tilespmem:$0x890] =	vst v1  }
0x1d: {  	[tilespmem:$0x8A0] =	vst v1  }
0x1e: {  	[tilespmem:$0x8B0] =	vst v1  }
0x1f: {  	[tilespmem:$0x8C0] =	vst v1  }
0x20: {  	[tilespmem:$0x8D0] =	vst v1  }
0x21: {  	[tilespmem:$0x8E0] =	vst v1  }
0x22: {  	[tilespmem:$0x8F0] =	vst v1  }
0x23: {  	[tilespmem:$0x900] =	vst v1  }
0x24: {  	[tilespmem:$0x910] =	vst v1  }
0x25: {  	[tilespmem:$0x920] =	vst v1  }
0x26: {  	[tilespmem:$0x930] =	vst v1  }
0x27: {  	[tilespmem:$0x940] =	vst v1  }
0x28: {  	[tilespmem:$0x950] =	vst v1  }
0x29: {  	[tilespmem:$0x960] =	vst v1  }
0x2a: {  	[tilespmem:$0x970] =	vst v1  }
0x2b: {  	[tilespmem:$0x980] =	vst v1  }
0x2c: {  	[tilespmem:$0x990] =	vst v1  }
0x2d: {  	[tilespmem:$0x9A0] =	vst v1  }
0x2e: {  	[tilespmem:$0x9B0] =	vst v1  }
0x2f: {  	[tilespmem:$0x9C0] =	vst v1  }
0x30: {  	[tilespmem:$0x9D0] =	vst v1  }
0x31: {  	[tilespmem:$0x9E0] =	vst v1  }
0x32: {  	[tilespmem:$0x9F0] =	vst v1  }
0x33: {  	[tilespmem:$0xA00] =	vst v1  }
0x34: {  	[tilespmem:$0xA10] =	vst v1  }
0x35: {  	[tilespmem:$0xA20] =	vst v1  }
0x36: {  	[tilespmem:$0xA30] =	vst v1  }
0x37: {  	[tilespmem:$0xA40] =	vst v1  }
0x38: {  	[tilespmem:$0xA50] =	vst v1  }
0x39: {  	[tilespmem:$0xA60] =	vst v1  }
0x3a: {  	[tilespmem:$0xA70] =	vst v1  }
0x3b: {  	[tilespmem:$0xA80] =	vst v1  }
0x3c: {  	[tilespmem:$0xA90] =	vst v1  }
0x3d: {  	[tilespmem:$0xAA0] =	vst v1  }
0x3e: {  	[tilespmem:$0xAB0] =	vst v1  }
0x3f: {  	[tilespmem:$0xAC0] =	vst v1  }
0x40: {  	[tilespmem:$0xAD0] =	vst v1  }
0x41: {  	[tilespmem:$0xAE0] =	vst v1  }
0x42: {  	[tilespmem:$0xAF0] =	vst v1;
	s0 =	simm.s32 $0x880  }
0x43: {  	[spmem:s5] =	stream.linear.scatter [tilespmem:s0], [sflag:$0x5], $0x280, $0x38;
	[tilespmem:$0xD80] =	vst v63  }
0x44: {  	_ =	swait.ge [sflag:s11], $0x280  }
0x45: {  	[sflag:s11] =	ssyncset.done $0x0  }
0x46: {  	[sflag:s11] =	ssyncadd.s32 $0xFFFFFD80  }
0x47: {  	[bflag:$0x0] =	sbarrier.arrive $0xFFFF  }
0x48: {  	[tilespmem:s3], [sflag:$0x1] =	stream.linear.gather [hbm4b:s4+s3], $0x400, $0x38;
	[tilespmem:$0xD80] =	vst v63  }
0x49: {  	s6 =	rddreg [dreg:$0x3]  }
0x4a: {  	[tilespmem:s12], [sflag:$0x2] =	stream.linear.gather [hbm4b:s6+s3], $0x400, $0x38;
	[tilespmem:$0xD80] =	vst v63  }
0x4b: {  	_ =	swait.ge [sflag:s13], $0x400  }
0x4c: {  	[sflag:s13] =	ssyncset.done $0x0  }
0x4d: {  	[sflag:s13] =	ssyncadd.s32 $0xFFFFFC00  }
0x4e: {  	[spmem:s2] =	stream.indirect.scatter.add.f32 [tilespmem:s15], [sflag:$0x3], $0x1, s3, s14, $0xb8;
	[tilespmem:$0xD80] =	vst v63  }
0x4f: {  	_ = 	snop  }
0x50: {  	[spmem:s2] =	stream.indirect.scatter.add.f32 [tilespmem:s15], [sflag:$0x3], $0x1, s14, s14, $0xb8;
	[tilespmem:$0xD80] =	vst v63  }
0x51: {  	_ = 	snop  }
0x52: {  	[spmem:s2] =	stream.indirect.scatter.add.f32 [tilespmem:s15], [sflag:$0x3], $0x1, s16, s14, $0xb8;
	[tilespmem:$0xD80] =	vst v63  }
0x53: {  	_ = 	snop  }
0x54: {  	[spmem:s2] =	stream.indirect.scatter.add.f32 [tilespmem:s15], [sflag:$0x3], $0x1, s17, s14, $0xb8;
	[tilespmem:$0xD80] =	vst v63  }
0x55: {  	_ = 	snop  }
0x56: {  	[spmem:s2] =	stream.indirect.scatter.add.f32 [tilespmem:s15], [sflag:$0x3], $0x1, s18, s14, $0xb8;
	[tilespmem:$0xD80] =	vst v63  }
0x57: {  	_ = 	snop  }
0x58: {  	[spmem:s2] =	stream.indirect.scatter.add.f32 [tilespmem:s15], [sflag:$0x3], $0x1, s19, s14, $0xb8;
	[tilespmem:$0xD80] =	vst v63  }
0x59: {  	_ = 	snop  }
0x5a: {  	[spmem:s2] =	stream.indirect.scatter.add.f32 [tilespmem:s15], [sflag:$0x3], $0x1, s20, s14, $0xb8;
	[tilespmem:$0xD80] =	vst v63  }
0x5b: {  	_ = 	snop  }
0x5c: {  	[spmem:s2] =	stream.indirect.scatter.add.f32 [tilespmem:s15], [sflag:$0x3], $0x1, s21, s14, $0xb8;
	[tilespmem:$0xD80] =	vst v63  }
0x5d: {  	_ =	swait.ge [sflag:s22], $0x80  }
0x5e: {  	[sflag:s22] =	ssyncset.done $0x0  }
0x5f: {  	[sflag:s22] =	ssyncadd.s32 $0xFFFFFF80  }
0x60: {  	_ =	swait.ge [sflag:s22], $0x80  }
0x61: {  	[sflag:s22] =	ssyncset.done $0x0  }
0x62: {  	[sflag:s22] =	ssyncadd.s32 $0xFFFFFF80  }
0x63: {  	_ =	swait.ge [sflag:s22], $0x80  }
0x64: {  	[sflag:s22] =	ssyncset.done $0x0  }
0x65: {  	[sflag:s22] =	ssyncadd.s32 $0xFFFFFF80  }
0x66: {  	_ =	swait.ge [sflag:s22], $0x80  }
0x67: {  	[sflag:s22] =	ssyncset.done $0x0  }
0x68: {  	[sflag:s22] =	ssyncadd.s32 $0xFFFFFF80  }
0x69: {  	_ =	swait.ge [sflag:s22], $0x80  }
0x6a: {  	[sflag:s22] =	ssyncset.done $0x0  }
0x6b: {  	[sflag:s22] =	ssyncadd.s32 $0xFFFFFF80  }
0x6c: {  	_ =	swait.ge [sflag:s22], $0x80  }
0x6d: {  	[sflag:s22] =	ssyncset.done $0x0  }
0x6e: {  	[sflag:s22] =	ssyncadd.s32 $0xFFFFFF80  }
0x6f: {  	_ =	swait.ge [sflag:s22], $0x80  }
0x70: {  	[sflag:s22] =	ssyncset.done $0x0  }
0x71: {  	[sflag:s22] =	ssyncadd.s32 $0xFFFFFF80  }
0x72: {  	_ =	swait.ge [sflag:s22], $0x80  }
0x73: {  	s7 =	sadd.s32 $0xFFFFFC00, s9;
	[sflag:s22] =	ssyncset.done $0x0  }
0x74: {  	s6 =	sadd.s32 $0x500, s7;
	[sflag:s22] =	ssyncadd.s32 $0xFFFFFF80  }
0x75: {  	[tilespmem:s3], [sflag:$0x1] =	stream.linear.gather [hbm4b:s6+s3], $0x400, $0x38;
	[tilespmem:$0xD80] =	vst v63  }
0x76: {  	_ =	swait.ge [sflag:s23], $0x400  }
0x77: {  	[sflag:s23] =	ssyncset.done $0x0  }
0x78: {  	[sflag:s23] =	ssyncadd.s32 $0xFFFFFC00  }
0x79: {  	[spmem:s2] =	stream.indirect.scatter.add.f32 [tilespmem:s15], [sflag:$0x4], $0x1, s12, s14, $0xb8;
	[tilespmem:$0xD80] =	vst v63  }
0x7a: {  	_ = 	snop  }
0x7b: {  	[spmem:s2] =	stream.indirect.scatter.add.f32 [tilespmem:s15], [sflag:$0x4], $0x1, s24, s14, $0xb8;
	[tilespmem:$0xD80] =	vst v63  }
0x7c: {  	_ = 	snop  }
0x7d: {  	[spmem:s2] =	stream.indirect.scatter.add.f32 [tilespmem:s15], [sflag:$0x4], $0x1, s25, s14, $0xb8;
	[tilespmem:$0xD80] =	vst v63  }
0x7e: {  	_ = 	snop  }
0x7f: {  	[spmem:s2] =	stream.indirect.scatter.add.f32 [tilespmem:s15], [sflag:$0x4], $0x1, s26, s14, $0xb8;
	[tilespmem:$0xD80] =	vst v63  }
0x80: {  	_ = 	snop  }
0x81: {  	[spmem:s2] =	stream.indirect.scatter.add.f32 [tilespmem:s15], [sflag:$0x4], $0x1, s28, s14, $0xb8;
	[tilespmem:$0xD80] =	vst v63  }
0x82: {  	_ = 	snop  }
0x83: {  	[spmem:s2] =	stream.indirect.scatter.add.f32 [tilespmem:s15], [sflag:$0x4], $0x1, s29, s14, $0xb8;
	[tilespmem:$0xD80] =	vst v63  }
0x84: {  	_ = 	snop  }
0x85: {  	[spmem:s2] =	stream.indirect.scatter.add.f32 [tilespmem:s15], [sflag:$0x4], $0x1, s30, s14, $0xb8;
	[tilespmem:$0xD80] =	vst v63  }
0x86: {  	_ = 	snop  }
0x87: {  	[spmem:s2] =	stream.indirect.scatter.add.f32 [tilespmem:s15], [sflag:$0x4], $0x1, s31, s14, $0xb8;
	[tilespmem:$0xD80] =	vst v63  }
0x88: {  	_ =	swait.ge [sflag:s1], $0x80  }
0x89: {  	[sflag:s1] =	ssyncset.done $0x0  }
0x8a: {  	[sflag:s1] =	ssyncadd.s32 $0xFFFFFF80  }
0x8b: {  	_ =	swait.ge [sflag:s1], $0x80  }
0x8c: {  	[sflag:s1] =	ssyncset.done $0x0  }
0x8d: {  	[sflag:s1] =	ssyncadd.s32 $0xFFFFFF80  }
0x8e: {  	_ =	swait.ge [sflag:s1], $0x80  }
0x8f: {  	[sflag:s1] =	ssyncset.done $0x0  }
0x90: {  	[sflag:s1] =	ssyncadd.s32 $0xFFFFFF80  }
0x91: {  	_ =	swait.ge [sflag:s1], $0x80  }
0x92: {  	[sflag:s1] =	ssyncset.done $0x0  }
0x93: {  	[sflag:s1] =	ssyncadd.s32 $0xFFFFFF80  }
0x94: {  	_ =	swait.ge [sflag:s1], $0x80  }
0x95: {  	[sflag:s1] =	ssyncset.done $0x0  }
0x96: {  	[sflag:s1] =	ssyncadd.s32 $0xFFFFFF80  }
0x97: {  	_ =	swait.ge [sflag:s1], $0x80  }
0x98: {  	[sflag:s1] =	ssyncset.done $0x0  }
0x99: {  	[sflag:s1] =	ssyncadd.s32 $0xFFFFFF80  }
0x9a: {  	_ =	swait.ge [sflag:s1], $0x80  }
0x9b: {  	[sflag:s1] =	ssyncset.done $0x0  }
0x9c: {  	[sflag:s1] =	ssyncadd.s32 $0xFFFFFF80  }
0x9d: {  	_ =	swait.ge [sflag:s1], $0x80  }
0x9e: {  	[sflag:s1] =	ssyncset.done $0x0  }
0x9f: {  	s0 =	sadd.s32 $0x580, s7;
	[sflag:s1] =	ssyncadd.s32 $0xFFFFFF80  }
0xa0: {  	[tilespmem:s12], [sflag:$0x2] =	stream.linear.gather [hbm4b:s0+s3], $0x400, $0x38;
	[tilespmem:$0xD80] =	vst v63  }
0xa1: {  	_ =	swait.ge [sflag:s13], $0x400  }
0xa2: {  	[sflag:s13] =	ssyncset.done $0x0  }
0xa3: {  	[sflag:s13] =	ssyncadd.s32 $0xFFFFFC00  }
0xa4: {  	[spmem:s2] =	stream.indirect.scatter.add.f32 [tilespmem:s15], [sflag:$0x3], $0x1, s3, s14, $0xb8;
	[tilespmem:$0xD80] =	vst v63  }
0xa5: {  	_ = 	snop  }
0xa6: {  	[spmem:s2] =	stream.indirect.scatter.add.f32 [tilespmem:s15], [sflag:$0x3], $0x1, s14, s14, $0xb8;
	[tilespmem:$0xD80] =	vst v63  }
0xa7: {  	_ = 	snop  }
0xa8: {  	[spmem:s2] =	stream.indirect.scatter.add.f32 [tilespmem:s15], [sflag:$0x3], $0x1, s16, s14, $0xb8;
	[tilespmem:$0xD80] =	vst v63  }
0xa9: {  	_ = 	snop  }
0xaa: {  	[spmem:s2] =	stream.indirect.scatter.add.f32 [tilespmem:s15], [sflag:$0x3], $0x1, s17, s14, $0xb8;
	[tilespmem:$0xD80] =	vst v63  }
0xab: {  	_ = 	snop  }
0xac: {  	[spmem:s2] =	stream.indirect.scatter.add.f32 [tilespmem:s15], [sflag:$0x3], $0x1, s18, s14, $0xb8;
	[tilespmem:$0xD80] =	vst v63  }
0xad: {  	_ = 	snop  }
0xae: {  	[spmem:s2] =	stream.indirect.scatter.add.f32 [tilespmem:s15], [sflag:$0x3], $0x1, s19, s14, $0xb8;
	[tilespmem:$0xD80] =	vst v63  }
0xaf: {  	s0 =	simm.s32 $0xFFFFFD00  }
0xb0: {  	[spmem:s2] =	stream.indirect.scatter.add.f32 [tilespmem:s15], [sflag:$0x3], $0x1, s20, s14, $0xb8;
	[tilespmem:$0xD80] =	vst v63  }
.LBB2_2:
0xb1: {  	[spmem:s2] =	stream.indirect.scatter.add.f32 [tilespmem:s15], [sflag:$0x3], $0x1, s21, s14, $0xb8;
	[tilespmem:$0xD80] =	vst v63  }
0xb2: {  	s6 =	smov.u32 s0  }
0xb3: {  	p0 =	sne.s32 s0, $0xFFFFFF00;
	s0 =	sadd.s32 $0x100, s0;
	_ =	swait.ge [sflag:s22], $0x80  }
0xb4: {  	[sflag:s22] =	ssyncset.done $0x0  }
0xb5: {  	[sflag:s22] =	ssyncadd.s32 $0xFFFFFF80  }
0xb6: {  	_ =	swait.ge [sflag:s22], $0x80  }
0xb7: {  	[sflag:s22] =	ssyncset.done $0x0  }
0xb8: {  	[sflag:s22] =	ssyncadd.s32 $0xFFFFFF80  }
0xb9: {  	_ =	swait.ge [sflag:s22], $0x80  }
0xba: {  	[sflag:s22] =	ssyncset.done $0x0  }
0xbb: {  	[sflag:s22] =	ssyncadd.s32 $0xFFFFFF80  }
0xbc: {  	_ =	swait.ge [sflag:s22], $0x80  }
0xbd: {  	[sflag:s22] =	ssyncset.done $0x0  }
0xbe: {  	[sflag:s22] =	ssyncadd.s32 $0xFFFFFF80  }
0xbf: {  	_ =	swait.ge [sflag:s22], $0x80  }
0xc0: {  	[sflag:s22] =	ssyncset.done $0x0  }
0xc1: {  	[sflag:s22] =	ssyncadd.s32 $0xFFFFFF80  }
0xc2: {  	_ =	swait.ge [sflag:s22], $0x80  }
0xc3: {  	[sflag:s22] =	ssyncset.done $0x0  }
0xc4: {  	[sflag:s22] =	ssyncadd.s32 $0xFFFFFF80  }
0xc5: {  	_ =	swait.ge [sflag:s22], $0x80  }
0xc6: {  	[sflag:s22] =	ssyncset.done $0x0  }
0xc7: {  	[sflag:s22] =	ssyncadd.s32 $0xFFFFFF80  }
0xc8: {  	_ =	swait.ge [sflag:s22], $0x80  }
0xc9: {  	s6 =	sadd.s32 s6, s9;
	[sflag:s22] =	ssyncset.done $0x0  }
0xca: {  	s7 =	sadd.s32 $0x500, s6;
	[sflag:s22] =	ssyncadd.s32 $0xFFFFFF80  }
0xcb: {  	[tilespmem:s3], [sflag:$0x1] =	stream.linear.gather [hbm4b:s7+s3], $0x400, $0x38;
	[tilespmem:$0xD80] =	vst v63  }
0xcc: {  	_ =	swait.ge [sflag:s23], $0x400  }
0xcd: {  	[sflag:s23] =	ssyncset.done $0x0  }
0xce: {  	[sflag:s23] =	ssyncadd.s32 $0xFFFFFC00  }
0xcf: {  	[spmem:s2] =	stream.indirect.scatter.add.f32 [tilespmem:s15], [sflag:$0x4], $0x1, s12, s14, $0xb8;
	[tilespmem:$0xD80] =	vst v63  }
0xd0: {  	_ = 	snop  }
0xd1: {  	[spmem:s2] =	stream.indirect.scatter.add.f32 [tilespmem:s15], [sflag:$0x4], $0x1, s24, s14, $0xb8;
	[tilespmem:$0xD80] =	vst v63  }
0xd2: {  	_ = 	snop  }
0xd3: {  	[spmem:s2] =	stream.indirect.scatter.add.f32 [tilespmem:s15], [sflag:$0x4], $0x1, s25, s14, $0xb8;
	[tilespmem:$0xD80] =	vst v63  }
0xd4: {  	_ = 	snop  }
0xd5: {  	[spmem:s2] =	stream.indirect.scatter.add.f32 [tilespmem:s15], [sflag:$0x4], $0x1, s26, s14, $0xb8;
	[tilespmem:$0xD80] =	vst v63  }
0xd6: {  	_ = 	snop  }
0xd7: {  	[spmem:s2] =	stream.indirect.scatter.add.f32 [tilespmem:s15], [sflag:$0x4], $0x1, s28, s14, $0xb8;
	[tilespmem:$0xD80] =	vst v63  }
0xd8: {  	_ = 	snop  }
0xd9: {  	[spmem:s2] =	stream.indirect.scatter.add.f32 [tilespmem:s15], [sflag:$0x4], $0x1, s29, s14, $0xb8;
	[tilespmem:$0xD80] =	vst v63  }
0xda: {  	_ = 	snop  }
0xdb: {  	[spmem:s2] =	stream.indirect.scatter.add.f32 [tilespmem:s15], [sflag:$0x4], $0x1, s30, s14, $0xb8;
	[tilespmem:$0xD80] =	vst v63  }
0xdc: {  	_ = 	snop  }
0xdd: {  	[spmem:s2] =	stream.indirect.scatter.add.f32 [tilespmem:s15], [sflag:$0x4], $0x1, s31, s14, $0xb8;
	[tilespmem:$0xD80] =	vst v63  }
0xde: {  	_ =	swait.ge [sflag:s1], $0x80  }
0xdf: {  	[sflag:s1] =	ssyncset.done $0x0  }
0xe0: {  	[sflag:s1] =	ssyncadd.s32 $0xFFFFFF80  }
0xe1: {  	_ =	swait.ge [sflag:s1], $0x80  }
0xe2: {  	[sflag:s1] =	ssyncset.done $0x0  }
0xe3: {  	[sflag:s1] =	ssyncadd.s32 $0xFFFFFF80  }
0xe4: {  	_ =	swait.ge [sflag:s1], $0x80  }
0xe5: {  	[sflag:s1] =	ssyncset.done $0x0  }
0xe6: {  	[sflag:s1] =	ssyncadd.s32 $0xFFFFFF80  }
0xe7: {  	_ =	swait.ge [sflag:s1], $0x80  }
0xe8: {  	[sflag:s1] =	ssyncset.done $0x0  }
0xe9: {  	[sflag:s1] =	ssyncadd.s32 $0xFFFFFF80  }
0xea: {  	_ =	swait.ge [sflag:s1], $0x80  }
0xeb: {  	[sflag:s1] =	ssyncset.done $0x0  }
0xec: {  	[sflag:s1] =	ssyncadd.s32 $0xFFFFFF80  }
0xed: {  	_ =	swait.ge [sflag:s1], $0x80  }
0xee: {  	[sflag:s1] =	ssyncset.done $0x0  }
0xef: {  	[sflag:s1] =	ssyncadd.s32 $0xFFFFFF80  }
0xf0: {  	_ =	swait.ge [sflag:s1], $0x80  }
0xf1: {  	[sflag:s1] =	ssyncset.done $0x0  }
0xf2: {  	[sflag:s1] =	ssyncadd.s32 $0xFFFFFF80  }
0xf3: {  	_ =	swait.ge [sflag:s1], $0x80  }
0xf4: {  	[sflag:s1] =	ssyncset.done $0x0  }
0xf5: {  	s6 =	sadd.s32 $0x580, s6;
	[sflag:s1] =	ssyncadd.s32 $0xFFFFFF80  }
0xf6: {  	[tilespmem:s12], [sflag:$0x2] =	stream.linear.gather [hbm4b:s6+s3], $0x400, $0x38;
	[tilespmem:$0xD80] =	vst v63  }
0xf7: {  	_ =	swait.ge [sflag:s13], $0x400  }
0xf8: {  	[sflag:s13] =	ssyncset.done $0x0  }
0xf9: {  	[sflag:s13] =	ssyncadd.s32 $0xFFFFFC00  }
0xfa: {  	[spmem:s2] =	stream.indirect.scatter.add.f32 [tilespmem:s15], [sflag:$0x3], $0x1, s3, s14, $0xb8;
	[tilespmem:$0xD80] =	vst v63  }
0xfb: {  	_ = 	snop  }
0xfc: {  	[spmem:s2] =	stream.indirect.scatter.add.f32 [tilespmem:s15], [sflag:$0x3], $0x1, s14, s14, $0xb8;
	[tilespmem:$0xD80] =	vst v63  }
0xfd: {  	_ = 	snop  }
0xfe: {  	[spmem:s2] =	stream.indirect.scatter.add.f32 [tilespmem:s15], [sflag:$0x3], $0x1, s16, s14, $0xb8;
	[tilespmem:$0xD80] =	vst v63  }
0xff: {  	_ = 	snop  }
0x100: {  	[spmem:s2] =	stream.indirect.scatter.add.f32 [tilespmem:s15], [sflag:$0x3], $0x1, s17, s14, $0xb8;
	[tilespmem:$0xD80] =	vst v63  }
0x101: {  	_ = 	snop  }
0x102: {  	[spmem:s2] =	stream.indirect.scatter.add.f32 [tilespmem:s15], [sflag:$0x3], $0x1, s18, s14, $0xb8;
	[tilespmem:$0xD80] =	vst v63  }
.Ltmp0:
0x103: {  	_ = 	snop;
	(pc) =	sbr.rel @p0 .LBB2_2-.Ltmp0, $4  }
0x104: {  	_ = 	snop  }
0x105: {  	[spmem:s2] =	stream.indirect.scatter.add.f32 [tilespmem:s15], [sflag:$0x3], $0x1, s19, s14, $0xb8;
	[tilespmem:$0xD80] =	vst v63  }
0x106: {  	_ = 	snop  }
0x107: {  	[spmem:s2] =	stream.indirect.scatter.add.f32 [tilespmem:s15], [sflag:$0x3], $0x1, s20, s14, $0xb8;
	[tilespmem:$0xD80] =	vst v63  }
0x108: {  	[spmem:s2] =	stream.indirect.scatter.add.f32 [tilespmem:s15], [sflag:$0x3], $0x1, s21, s14, $0xb8;
	[tilespmem:$0xD80] =	vst v63  }
0x109: {  	_ =	swait.ge [sflag:s23], $0x400  }
0x10a: {  	[sflag:s23] =	ssyncset.done $0x0  }
0x10b: {  	[sflag:s23] =	ssyncadd.s32 $0xFFFFFC00  }
0x10c: {  	[spmem:s2] =	stream.indirect.scatter.add.f32 [tilespmem:s15], [sflag:$0x4], $0x1, s12, s14, $0xb8;
	[tilespmem:$0xD80] =	vst v63  }
0x10d: {  	_ = 	snop  }
0x10e: {  	[spmem:s2] =	stream.indirect.scatter.add.f32 [tilespmem:s15], [sflag:$0x4], $0x1, s24, s14, $0xb8;
	[tilespmem:$0xD80] =	vst v63  }
0x10f: {  	_ = 	snop  }
0x110: {  	[spmem:s2] =	stream.indirect.scatter.add.f32 [tilespmem:s15], [sflag:$0x4], $0x1, s25, s14, $0xb8;
	[tilespmem:$0xD80] =	vst v63  }
0x111: {  	_ = 	snop  }
0x112: {  	[spmem:s2] =	stream.indirect.scatter.add.f32 [tilespmem:s15], [sflag:$0x4], $0x1, s26, s14, $0xb8;
	[tilespmem:$0xD80] =	vst v63  }
0x113: {  	_ = 	snop  }
0x114: {  	[spmem:s2] =	stream.indirect.scatter.add.f32 [tilespmem:s15], [sflag:$0x4], $0x1, s28, s14, $0xb8;
	[tilespmem:$0xD80] =	vst v63  }
0x115: {  	_ = 	snop  }
0x116: {  	[spmem:s2] =	stream.indirect.scatter.add.f32 [tilespmem:s15], [sflag:$0x4], $0x1, s29, s14, $0xb8;
	[tilespmem:$0xD80] =	vst v63  }
0x117: {  	_ = 	snop  }
0x118: {  	[spmem:s2] =	stream.indirect.scatter.add.f32 [tilespmem:s15], [sflag:$0x4], $0x1, s30, s14, $0xb8;
	[tilespmem:$0xD80] =	vst v63  }
0x119: {  	_ = 	snop  }
0x11a: {  	[spmem:s2] =	stream.indirect.scatter.add.f32 [tilespmem:s15], [sflag:$0x4], $0x1, s31, s14, $0xb8;
	[tilespmem:$0xD80] =	vst v63  }
0x11b: {  	_ =	swait.ge [sflag:s22], $0x80  }
0x11c: {  	[sflag:s22] =	ssyncset.done $0x0  }
0x11d: {  	[sflag:s22] =	ssyncadd.s32 $0xFFFFFF80  }
0x11e: {  	_ =	swait.ge [sflag:s22], $0x80  }
0x11f: {  	[sflag:s22] =	ssyncset.done $0x0  }
0x120: {  	[sflag:s22] =	ssyncadd.s32 $0xFFFFFF80  }
0x121: {  	_ =	swait.ge [sflag:s22], $0x80  }
0x122: {  	[sflag:s22] =	ssyncset.done $0x0  }
0x123: {  	[sflag:s22] =	ssyncadd.s32 $0xFFFFFF80  }
0x124: {  	_ =	swait.ge [sflag:s22], $0x80  }
0x125: {  	[sflag:s22] =	ssyncset.done $0x0  }
0x126: {  	[sflag:s22] =	ssyncadd.s32 $0xFFFFFF80  }
0x127: {  	_ =	swait.ge [sflag:s22], $0x80  }
0x128: {  	[sflag:s22] =	ssyncset.done $0x0  }
0x129: {  	[sflag:s22] =	ssyncadd.s32 $0xFFFFFF80  }
0x12a: {  	_ =	swait.ge [sflag:s22], $0x80  }
0x12b: {  	[sflag:s22] =	ssyncset.done $0x0  }
0x12c: {  	[sflag:s22] =	ssyncadd.s32 $0xFFFFFF80  }
0x12d: {  	_ =	swait.ge [sflag:s22], $0x80  }
0x12e: {  	[sflag:s22] =	ssyncset.done $0x0  }
0x12f: {  	[sflag:s22] =	ssyncadd.s32 $0xFFFFFF80  }
0x130: {  	_ =	swait.ge [sflag:s22], $0x80  }
0x131: {  	[sflag:s22] =	ssyncset.done $0x0  }
0x132: {  	[sflag:s22] =	ssyncadd.s32 $0xFFFFFF80  }
0x133: {  	_ =	swait.ge [sflag:s1], $0x80  }
0x134: {  	[sflag:s1] =	ssyncset.done $0x0  }
0x135: {  	[sflag:s1] =	ssyncadd.s32 $0xFFFFFF80  }
0x136: {  	_ =	swait.ge [sflag:s1], $0x80  }
0x137: {  	[sflag:s1] =	ssyncset.done $0x0  }
0x138: {  	[sflag:s1] =	ssyncadd.s32 $0xFFFFFF80  }
0x139: {  	_ =	swait.ge [sflag:s1], $0x80  }
0x13a: {  	[sflag:s1] =	ssyncset.done $0x0  }
0x13b: {  	[sflag:s1] =	ssyncadd.s32 $0xFFFFFF80  }
0x13c: {  	_ =	swait.ge [sflag:s1], $0x80  }
0x13d: {  	[sflag:s1] =	ssyncset.done $0x0  }
0x13e: {  	[sflag:s1] =	ssyncadd.s32 $0xFFFFFF80  }
0x13f: {  	_ =	swait.ge [sflag:s1], $0x80  }
0x140: {  	[sflag:s1] =	ssyncset.done $0x0  }
0x141: {  	[sflag:s1] =	ssyncadd.s32 $0xFFFFFF80  }
0x142: {  	_ =	swait.ge [sflag:s1], $0x80  }
0x143: {  	[sflag:s1] =	ssyncset.done $0x0  }
0x144: {  	[sflag:s1] =	ssyncadd.s32 $0xFFFFFF80  }
0x145: {  	_ =	swait.ge [sflag:s1], $0x80  }
0x146: {  	[sflag:s1] =	ssyncset.done $0x0  }
0x147: {  	[sflag:s1] =	ssyncadd.s32 $0xFFFFFF80  }
0x148: {  	_ =	swait.ge [sflag:s1], $0x80  }
0x149: {  	s0 =	stileid.u32;
	[sflag:s1] =	ssyncset.done $0x0  }
0x14a: {  	s6 =	sshrl.u32 s5, $0x3;
	s10 =	sadd.s32 $0x1, s10;
	[sflag:s1] =	ssyncadd.s32 $0xFFFFFF80  }
0x14b: {  	s0 =	sshll.u32 s0, $0x6;
	p0 =	sne.s32 s10, s8;
	[bflag:$0x0] =	sbarrier.arrive $0xFFFF  }
.Ltmp1:
0x14c: {  	s0 =	sor.u32 $0x1C05, s0;
	s7 =	rddreg [dreg:$0x4];
	(pc) =	sbr.rel @p0 .LBB2_1-.Ltmp1, $4  }
0x14d: {  	[hbm:s7], [sflag:s0] =	dma.local [spmem:s6], $0x50  }
0x14e: {  	_ =	swait.ge [sflag:s11], $0x50  }
0x14f: {  	[sflag:s11] =	ssyncset.done $0x0  }
0x150: {  	[sflag:s11] =	ssyncadd.s32 $0xFFFFFFB0  }
0x151: {  	_ =	sfence.sel $0x180000  }
0x152: {  	[bflag:$0x0] =	sbarrier.arrive $0xFFFF  }
0x153: {  	_ =	strace $0x90000047  }
0x154: {  	s0 =	stileid.u32;
	[bflag:$0x2] =	sbarrier.arrive $0xFFFF  }
0x155: {  	p0 =	sne.s32 s0, $0x0;
	s0 =	rddreg [dreg:$0x2]  }
0x156: {  	s0 =	sadd.s32 @!p0 $0x100000, s0  }
0x157: {  	[sflag:s0] =	ssyncadd.tile.s32 @!p0 $0x1;
	_ =	shalt  }
.Lfunc_end2:
_tile_overlayer_lowered:
.L_overlay_start_2:
0x158: {  	(tag) =	ssettag $0x2  }
0x159: {  	s0 =	rddreg [dreg:$0x0];
	s2 =	stileid.u32  }
0x15a: {  	s1 =	rddreg [dreg:$0x1];
	p0 =	sne.s32 s2, $0x0  }
0x15b: {  	s3 =	rddreg [dreg:$0x2];
	[bflag:$0x3] =	sbarrier.arrive $0xFFFF;
	s2 =	simm.s32 @!p0 $0x1C05  }
0x15c: {  	[timem:s3], [sflag:s2] =	dma.local @!p0 [hbm:s0], s1  }
0x15d: {  	s0 =	simm.s32 @!p0 $0x5  }
0x15e: {  	_ =	swait.ge @!p0 [sflag:s0], s1  }
0x15f: {  	s1 =	ssub.s32 @!p0 $0x0, s1;
	[sflag:s0] =	ssyncset.done @!p0 $0x0  }
0x160: {  	[sflag:s0] =	ssyncadd.s32 @!p0 s1  }
0x161: {  	[bflag:$0x3] =	sbarrier.arrive $0xFFFF  }
0x162: {  	_ =	shalt  }

// kernel: kernel.9.cloned.1.call-start
scs
__scs_entry_jumppad:
0x0: {  	(pc) =	sbr.rel $0x88, $3  }
0x1: {  	(tag) =	ssettag $0x0;
	lr =	simm.s32 $0x1  }
0x2: {  	[smem:$0x3F9F] =	sst lr;
	_ =	strace $0xD0000000  }
0x3: {  	_ = 	snop  }
0x4: {  	_ = 	snop  }
0x5: {  	_ = 	snop  }
0x6: {  	_ = 	snop  }
0x7: {  	_ = 	snop  }
__scs_overlays_trampoline_lowered:
0x8: {  	[smem:$0x3FAE] =	sst s0  }
0x9: {  	[smem:$0x3FAF] =	sst s1  }
0xa: {  	[smem:$0x3FB0] =	sst s2  }
0xb: {  	[smem:$0x3FB1] =	sst s3  }
0xc: {  	[smem:$0x3FB2] =	sst s4  }
0xd: {  	[smem:$0x3FB3] =	sst s5  }
0xe: {  	[smem:$0x3FB4] =	sst s6  }
0xf: {  	[smem:$0x3FB5] =	sst s7  }
0x10: {  	[smem:$0x3FB6] =	sst s8  }
0x11: {  	[smem:$0x3FB7] =	sst s9;
	s0 =	simm.s32 @!p0 $0x0  }
0x12: {  	s1 =	sld [smem:$0x3F9D];
	s0 =	simm.s32 @p0 $0x1  }
0x13: {  	[smem:$0x3FB8] =	sst s0;
	s0 =	simm.s32 @!p1 $0x0  }
0x14: {  	s2 =	sld [smem:$0x3F9C];
	s0 =	simm.s32 @p1 $0x1  }
0x15: {  	[smem:$0x3FB9] =	sst s0;
	s0 =	simm.s32 @!p2 $0x0  }
0x16: {  	s3 =	sld [smem:$0x3FDB];
	s0 =	simm.s32 @p2 $0x1  }
0x17: {  	s4 =	simm.s32 $0x1BF5;
	[smem:$0x3FBB] =	sst s0  }
0x18: {  	s0 =	sld [smem:$0x3F9E];
	_ =	swait.ge [sflag:s4], $0x0  }
0x19: {  	s7 =	sld [smem:$0x3F9F]  }
0x1a: {  	s8 =	sadd.s32 $0xFFFFE003, lr  }
0x1b: {  	s9 =	sadd.s32 $0xFFFFFEF7, lr;
	s5 =	simm.s32 $0xFFFFFFFF;
	p2 =	slt.u32 s8, $0xFFFFF086  }
0x1c: {  	p1 =	slt.u32 s9, $0xF7A;
	s5 =	simm.s32 @!p2 $0x0  }
0x1d: {  	s5 =	simm.s32 @p1 $0x1;
	p0 =	seq.s32 s7, s2  }
0x1e: {  	s7 =	smul.u32 @!p0 $0xF7A, s2;
	p2 =	seq.s32 @!p0 s5, $0x0  }
0x1f: {  	s9 =	smul.u32 $0xF7A, s1;
	s8 =	simm.s32 @!p0 $0x1BF5;
	p2 =	por !p2, p0  }
0x20: {  	[sflag:s8] =	ssyncset.s32 @!p0 $0xFFFFF086;
	s6 =	sadd.s32 @!p0 s3, s7;
	s7 =	simm.s32 @!p0 $0x108  }
0x21: {  	s3 =	sadd.s32 s3, s9;
	s6 =	sadd.s32 @!p0 $0x88, s6;
	s7 =	simm.s32 @p2 $0x1082  }
0x22: {  	[simem:s7], [sflag:s8] =	dma.local @!p0 [hbm:s6], $0xF7A  }
0x23: {  	s9 =	sor.u32 $0xD0000000, s2;
	s6 =	simm.s32 $0x108;
	_ =	swait.ge @!p0 [sflag:s8], $0x0  }
0x24: {  	s3 =	sadd.s32 $0x88, s3;
	s6 =	simm.s32 @!p1 $0x1082;
	[sflag:s4] =	ssyncset.s32 $0xFFFFF086  }
0x25: {  	[simem:s6], [sflag:s4] =	dma.local [hbm:s3], $0xF7A  }
0x26: {  	[smem:$0x3F9F] =	sst s1;
	(tag) =	ssettag s2;
	_ =	strace s9  }
0x27: {  	s1 =	sld [smem:$0x3FAF]  }
0x28: {  	s2 =	sld [smem:$0x3FB0]  }
0x29: {  	s4 =	sld [smem:$0x3FB2]  }
0x2a: {  	p0 =	seq.s32 s5, $0x0;
	s5 =	sld [smem:$0x3FB3]  }
0x2b: {  	s6 =	sld [smem:$0x3FB4]  }
0x2c: {  	s7 =	sld [smem:$0x3FB5]  }
0x2d: {  	s3 =	simm.s32 $0x108;
	s8 =	sld [smem:$0x3FB6]  }
0x2e: {  	s3 =	simm.s32 @!p0 $0x1082;
	s9 =	sld [smem:$0x3FB7]  }
0x2f: {  	lr =	sadd.s32 s0, s3;
	s0 =	sld [smem:$0x3FAE]  }
0x30: {  	s3 =	sld [smem:$0x3FB1]  }
0x31: {  	[smem:$0x3FBA] =	sst s10  }
0x32: {  	s10 =	sld [smem:$0x3FB8];
	_ =	sdelay $0x3  }
0x33: {  	p0 =	seq.s32 s10, $0x1;
	s10 =	sld [smem:$0x3FBA];
	_ =	sdelay $0x3  }
0x34: {  	[smem:$0x3FBA] =	sst s10  }
0x35: {  	s10 =	sld [smem:$0x3FB9];
	_ =	sdelay $0x3  }
0x36: {  	p1 =	seq.s32 s10, $0x1;
	s10 =	sld [smem:$0x3FBA];
	_ =	sdelay $0x3  }
0x37: {  	[smem:$0x3FBA] =	sst s10  }
0x38: {  	s10 =	sld [smem:$0x3FBB]  }
0x39: {  	_ = 	snop;
	(pc) =	sbr.ind lr, $3  }
0x3a: {  	_ = 	snop  }
0x3b: {  	_ = 	snop  }
0x3c: {  	p2 =	seq.s32 s10, $0x1;
	s10 =	sld [smem:$0x3FBA]  }
0x3d: {  	_ =	shalt  }
0x3e: {  	_ =	shalt  }
0x3f: {  	_ =	shalt  }
0x40: {  	_ =	shalt  }
0x41: {  	_ =	shalt  }
0x42: {  	_ =	shalt  }
0x43: {  	_ =	shalt  }
0x44: {  	_ =	shalt  }
0x45: {  	_ =	shalt  }
0x46: {  	_ =	shalt  }
0x47: {  	_ =	shalt  }
0x48: {  	_ =	shalt  }
0x49: {  	_ =	shalt  }
0x4a: {  	_ =	shalt  }
0x4b: {  	_ =	shalt  }
0x4c: {  	_ =	shalt  }
0x4d: {  	_ =	shalt  }
0x4e: {  	_ =	shalt  }
0x4f: {  	_ =	shalt  }
0x50: {  	_ =	shalt  }
0x51: {  	_ =	shalt  }
0x52: {  	_ =	shalt  }
0x53: {  	_ =	shalt  }
0x54: {  	_ =	shalt  }
0x55: {  	_ =	shalt  }
0x56: {  	_ =	shalt  }
0x57: {  	_ =	shalt  }
0x58: {  	_ =	shalt  }
0x59: {  	_ =	shalt  }
0x5a: {  	_ =	shalt  }
0x5b: {  	_ =	shalt  }
0x5c: {  	_ =	shalt  }
0x5d: {  	_ =	shalt  }
0x5e: {  	_ =	shalt  }
0x5f: {  	_ =	shalt  }
0x60: {  	_ =	shalt  }
0x61: {  	_ =	shalt  }
0x62: {  	_ =	shalt  }
0x63: {  	_ =	shalt  }
0x64: {  	_ =	shalt  }
0x65: {  	_ =	shalt  }
0x66: {  	_ =	shalt  }
0x67: {  	_ =	shalt  }
0x68: {  	_ =	shalt  }
0x69: {  	_ =	shalt  }
0x6a: {  	_ =	shalt  }
0x6b: {  	_ =	shalt  }
0x6c: {  	_ =	shalt  }
0x6d: {  	_ =	shalt  }
0x6e: {  	_ =	shalt  }
0x6f: {  	_ =	shalt  }
0x70: {  	_ =	shalt  }
0x71: {  	_ =	shalt  }
0x72: {  	_ =	shalt  }
0x73: {  	_ =	shalt  }
0x74: {  	_ =	shalt  }
0x75: {  	_ =	shalt  }
0x76: {  	_ =	shalt  }
0x77: {  	_ =	shalt  }
0x78: {  	_ =	shalt  }
0x79: {  	_ =	shalt  }
0x7a: {  	_ =	shalt  }
0x7b: {  	_ =	shalt  }
0x7c: {  	_ =	shalt  }
0x7d: {  	_ =	shalt  }
0x7e: {  	_ =	shalt  }
0x7f: {  	_ =	shalt  }
0x80: {  	_ =	shalt  }
0x81: {  	_ =	shalt  }
0x82: {  	_ =	shalt  }
0x83: {  	_ =	shalt  }
0x84: {  	_ =	shalt  }
0x85: {  	_ =	shalt  }
0x86: {  	_ =	shalt  }
0x87: {  	_ =	shalt  }
.Lfunc_end0:
.L_simem_size_0:
called_computation.1_lowered:
.L_overlay_start_0:
0x88: {  	s2 =	sld [smem:$0x3FD9]  }
0x89: {  	s3 =	sld [smem:$0x3FFE];
	_ =	sdelay $0x1  }
0x8a: {  	s1 =	srdreg.scid  }
0x8b: {  	s0 =	sand.u32 $0x1, s1  }
0x8c: {  	s17 =	sshll.u32 s0, $0xA;
	s2 =	sadd.s32 s3, s2  }
0x8d: {  	s2 =	sadd.s32 s2, s17  }
0x8e: {  	[smem:$0x3FC6] =	sst s2  }
0x8f: {  	_ = 	snop  }
0x90: {  	s2 =	sld [smem:$0x3FD0];
	(tm) =	ssettm $0x1  }
0x91: {  	s18 =	sld [smem:$0x3FFB];
	_ =	sdelay $0x3  }
0x92: {  	_ =	strace s18  }
0x93: {  	s3 =	sld [smem:$0x3FFC];
	_ =	sdelay $0x3  }
0x94: {  	_ =	strace s3  }
0x95: {  	s3 =	sld [smem:$0x3FFD];
	_ =	sdelay $0x3  }
0x96: {  	_ =	strace s3  }
0x97: {  	_ =	strace $0x8FFFFFFF  }
0x98: {  	s19 =	sld [smem:$0x3FDB];
	_ =	sdelay $0x1  }
0x99: {  	s4 =	simm.s32 $_scs_section_size  }
0x9a: {  	s5 =	simm.s32 $_size__tile_overlayer_lowered;
	s6 =	simm.s32 $_tile_overlayer_lowered  }
0x9b: {  	s22 =	simm.s32 $0x1BFF;
	s21 =	sshll.u32 s6, $0x1;
	s3 =	sadd.s32 s4, s19  }
0x9c: {  	s7 =	simm.s32 $0x0;
	s20 =	sshll.u32 s5, $0x1;
	s5 =	sadd.s32 s21, s3  }
0x9d: {  	[timem:s7], [sflag:s22] =	dma.local [hbm:s5], s20  }
0x9e: {  	_ =	swait.ge [sflag:s22], s20  }
0x9f: {  	s4 =	ssub.s32 $0x0, s20;
	[sflag:s22] =	ssyncset.done $0x0  }
0xa0: {  	[sflag:s22] =	ssyncadd.s32 s4;
	_ =	sdelay $0x1  }
0xa1: {  	s23 =	simm.s32 $0x1B8B  }
0xa2: {  	_ =	swait.ge [sflag:s23], $0x1  }
0xa3: {  	[sflag:s23] =	ssyncset.done $0x0  }
0xa4: {  	s25 =	simm.s32 $0x1B8E;
	s24 =	sld [smem:$0x3FFE];
	[sflag:s23] =	ssyncadd.s32 $0xFFFFFFFF  }
0xa5: {  	s26 =	simm.s32 $execute0_lowered;
	[smem:$0x3FD2] =	sst s25  }
0xa6: {  	s5 =	sshll.u32 s26, $0x1;
	_ =	strace $0x80000049;
	[dreg:$0x1] =	wrdreg $0xFFFFFFFF  }
0xa7: {  	s28 =	simm.s32 $_size_execute0_lowered;
	s3 =	sadd.s32 s3, s5;
	[dreg:$0x0] =	wrdreg $0x0  }
0xa8: {  	s5 =	sshll.u32 s28, $0x1;
	[dreg:$0x2] =	wrdreg s3  }
0xa9: {  	[dreg:$0x3] =	wrdreg s5  }
0xaa: {  	[dreg:$0x4] =	wrdreg $0xC0  }
0xab: {  	_ =	task [dreg:s7], $0x5FFFF  }
0xac: {  	[dreg:$0x1] =	wrdreg $0xFFFFFFFF  }
0xad: {  	[dreg:$0x0] =	wrdreg $0x60  }
0xae: {  	[dreg:$0x2] =	wrdreg s2  }
0xaf: {  	[dreg:$0x3] =	wrdreg s24  }
0xb0: {  	[dreg:$0x4] =	wrdreg $0xA2000  }
0xb1: {  	[dreg:$0x5] =	wrdreg $0x9  }
0xb2: {  	_ =	task.clear_ibuf [dreg:s7], $0x6FFFF;
	_ =	strace $0x90000049  }
0xb3: {  	s29 =	simm.s32 $0x9;
	_ =	strace $0x8000004E  }
0xb4: {  	_ =	swait.ge [sflag:s29], $0x1  }
0xb5: {  	[sflag:s29] =	ssyncadd.s32 $0xFFFFFFFF  }
0xb6: {  	_ =	strace $0x9000004E  }
0xb7: {  	_ =	sfence  }
0xb8: {  	s30 =	sld [smem:$0x0];
	_ =	sdelay $0x2  }
0xb9: {  	s31 =	sshll.u32 s1, $0xD;
	s1 =	sshrl.u32 s1, $0x2  }
0xba: {  	s3 =	sand.u32 $0x4000, s31;
	s1 =	sadd.s32 s1, s30  }
0xbb: {  	s0 =	sor.u32 s3, s0;
	s1 =	sshll.u32 s1, $0x11  }
0xbc: {  	s0 =	sor.u32 s1, s0  }
0xbd: {  	s0 =	sadd.s32 $0x8F2B, s0  }
0xbe: {  	[sflag:s0] =	ssyncadd.remote.s32 $0x1  }
0xbf: {  	_ =	sfence.sel $0xFFFF  }
0xc0: {  	[dreg:$0x0] =	wrdreg $0xFFFFFFFF;
	(pc) =	sbr.abs _section_cstart, $3  }
0xc1: {  	[dreg:$0x1] =	wrdreg $0xFFFFFFFF  }
0xc2: {  	_ =	task.clear_ibuf [dreg:s7], $0x2FFFF;
	_ =	strace $0x9FFFFFFF  }
0xc3: {  	(tm) =	ssettm $0x7FFFFFFF  }
tec
execute0_lowered:
.L_overlay_start_1:
0x0: {  	(tag) =	ssettag $0x1  }
0x1: {  	s0 =	rddreg [dreg:$0x0]  }
0x2: {  	s1 =	rddreg [dreg:$0x1]  }
0x3: {  	s2 =	rddreg [dreg:$0x2]  }
0x4: {  	s3 =	srdreg.scid;
	s13 =	stileid.u32;
	s20 =	simm.s32 $0x8200  }
0x5: {  	s21 =	simm.s32 $0x5;
	s22 =	simm.s32 $0x80;
	s23 =	simm.s32 $0x200  }
0x6: {  	s24 =	simm.s32 $0x100;
	s28 =	simm.s32 $0x3;
	s5 =	smul.u32 $0x2800, s13  }
0x7: {  	s29 =	simm.s32 $0x2;
	s30 =	simm.s32 $0x180;
	s8 =	smul.u32 $0x50000, s13  }
0x8: {  	s7 =	sand.u32 $0x1, s3;
	s3 =	simm.s32 $0x0;
	s26 =	smul.u32 $0x1400, s13  }
0x9: {  	s6 =	sshll.u32 s13, $0x1;
	s4 =	smul.u32 $0x28000, s7;
	[smem:$0x7FF] =	sst s3  }
0xa: {  	s6 =	sor.u32 s7, s6;
	s9 =	ssub.s32 $0x2, s7;
	s7 =	smul.u32 $0xA00, s7  }
0xb: {  	s31 =	simm.s32 $0x4;
	_ =	strace $0x8000004A;
	s6 =	smul.u32 $0xA00, s6  }
0xc: {  	s10 =	sshrl.u32 s9, $0x1;
	s8 =	sshrl.u32 s8, $0x2;
	s5 =	sadd.s32 s5, s4  }
0xd: {  	s4 =	sadd.s32 $0x1600, s1;
	s9 =	ssub.s32 s9, s10;
	s1 =	sadd.s32 s5, s1  }
0xe: {  	s5 =	sadd.s32 s0, s6;
	s6 =	sadd.s32 s8, s2;
	s9 =	smax.u32 s9, $0x1  }
0xf: {  	s0 =	sadd.s32 s26, s0;
	s26 =	simm.s32 $0x1;
	s25 =	sadd.s32 $0x20, s5  }
0x10: {  	s1 =	sadd.s32 $0x29600, s1;
	s10 =	sadd.s32 $0x2000, s6;
	s11 =	sadd.s32 $0x4000, s6  }
0x11: {  	s12 =	sadd.s32 $0x6000, s6;
	s13 =	sadd.s32 $0x8000, s6;
	s14 =	sadd.s32 $0xA000, s6  }
0x12: {  	s15 =	sadd.s32 $0xC000, s6;
	s16 =	sadd.s32 $0xE000, s6;
	s17 =	sadd.s32 $0x10000, s6  }
0x13: {  	s18 =	sadd.s32 $0x12000, s6;
	s19 =	sadd.s32 s7, s0;
	[dreg:$0x4] =	wrdreg s25  }
0x14: {  	v0 =	vimm.f32 $0.0e+00;
	s0 =	simm.s32 $0x0;
	[dreg:$0x5] =	wrdreg s1;
	s25 =	simm.s32 $0x4200  }
.LBB2_1:
0x15: {  	_ =	strace $0x8000004B;
	s1 =	simm.s32 $0x0;
	s7 =	simm.s32 $0x200  }
.LBB2_2:
0x16: {  	p0 =	seq.s32 s7, $0x7E00;
	[tilespmem:s1+$0x8270] =	vst v0  }
0x17: {  	[tilespmem:s1+$0x8200] =	vst v0  }
0x18: {  	[tilespmem:s1+$0x8210] =	vst v0  }
.Ltmp0:
0x19: {  	[tilespmem:s1+$0x8220] =	vst v0;
	(pc) =	sbr.rel @!p0 .LBB2_2-.Ltmp0, $4  }
0x1a: {  	[tilespmem:s1+$0x8230] =	vst v0  }
0x1b: {  	[tilespmem:s1+$0x8240] =	vst v0  }
0x1c: {  	[tilespmem:s1+$0x8250] =	vst v0  }
0x1d: {  	[tilespmem:s1+$0x8260] =	vst v0;
	s1 =	sshra.s32 s7, $0x2;
	s7 =	sadd.s32 $0x200, s7  }
0x1e: {  	[tilespmem:s1+$0x8270] =	vst v0  }
0x1f: {  	[tilespmem:s1+$0x8200] =	vst v0  }
0x20: {  	[tilespmem:s1+$0x8210] =	vst v0  }
0x21: {  	[tilespmem:s1+$0x8220] =	vst v0  }
0x22: {  	[tilespmem:s1+$0x8230] =	vst v0  }
0x23: {  	[tilespmem:s1+$0x8240] =	vst v0  }
0x24: {  	[tilespmem:s1+$0x8250] =	vst v0  }
0x25: {  	[tilespmem:s1+$0x8260] =	vst v0  }
0x26: {  	[spmem:s6] =	stream.linear.scatter [tilespmem:s20], [sflag:$0x5], $0x2000, $0x200038;
	[tilespmem:$0x1E200] =	vst v63  }
0x27: {  	_ =	swait.ge [sflag:s21], $0x2000  }
0x28: {  	[sflag:s21] =	ssyncset.done $0x0  }
0x29: {  	[sflag:s21] =	ssyncadd.s32 $0xFFFFE000  }
0x2a: {  	[spmem:s10] =	stream.linear.scatter [tilespmem:s20], [sflag:$0x5], $0x2000, $0x200038;
	[tilespmem:$0x1E200] =	vst v63  }
0x2b: {  	_ =	swait.ge [sflag:s21], $0x2000  }
0x2c: {  	[sflag:s21] =	ssyncset.done $0x0  }
0x2d: {  	[sflag:s21] =	ssyncadd.s32 $0xFFFFE000  }
0x2e: {  	[spmem:s11] =	stream.linear.scatter [tilespmem:s20], [sflag:$0x5], $0x2000, $0x200038;
	[tilespmem:$0x1E200] =	vst v63  }
0x2f: {  	_ =	swait.ge [sflag:s21], $0x2000  }
0x30: {  	[sflag:s21] =	ssyncset.done $0x0  }
0x31: {  	[sflag:s21] =	ssyncadd.s32 $0xFFFFE000  }
0x32: {  	[spmem:s12] =	stream.linear.scatter [tilespmem:s20], [sflag:$0x5], $0x2000, $0x200038;
	[tilespmem:$0x1E200] =	vst v63  }
0x33: {  	_ =	swait.ge [sflag:s21], $0x2000  }
0x34: {  	[sflag:s21] =	ssyncset.done $0x0  }
0x35: {  	[sflag:s21] =	ssyncadd.s32 $0xFFFFE000  }
0x36: {  	[spmem:s13] =	stream.linear.scatter [tilespmem:s20], [sflag:$0x5], $0x2000, $0x200038;
	[tilespmem:$0x1E200] =	vst v63  }
0x37: {  	_ =	swait.ge [sflag:s21], $0x2000  }
0x38: {  	[sflag:s21] =	ssyncset.done $0x0  }
0x39: {  	[sflag:s21] =	ssyncadd.s32 $0xFFFFE000  }
0x3a: {  	[spmem:s14] =	stream.linear.scatter [tilespmem:s20], [sflag:$0x5], $0x2000, $0x200038;
	[tilespmem:$0x1E200] =	vst v63  }
0x3b: {  	_ =	swait.ge [sflag:s21], $0x2000  }
0x3c: {  	[sflag:s21] =	ssyncset.done $0x0  }
0x3d: {  	[sflag:s21] =	ssyncadd.s32 $0xFFFFE000  }
0x3e: {  	[spmem:s15] =	stream.linear.scatter [tilespmem:s20], [sflag:$0x5], $0x2000, $0x200038;
	[tilespmem:$0x1E200] =	vst v63  }
0x3f: {  	_ =	swait.ge [sflag:s21], $0x2000  }
0x40: {  	[sflag:s21] =	ssyncset.done $0x0  }
0x41: {  	[sflag:s21] =	ssyncadd.s32 $0xFFFFE000  }
0x42: {  	[spmem:s16] =	stream.linear.scatter [tilespmem:s20], [sflag:$0x5], $0x2000, $0x200038;
	[tilespmem:$0x1E200] =	vst v63  }
0x43: {  	_ =	swait.ge [sflag:s21], $0x2000  }
0x44: {  	[sflag:s21] =	ssyncset.done $0x0  }
0x45: {  	[sflag:s21] =	ssyncadd.s32 $0xFFFFE000  }
0x46: {  	[spmem:s17] =	stream.linear.scatter [tilespmem:s20], [sflag:$0x5], $0x2000, $0x200038;
	[tilespmem:$0x1E200] =	vst v63  }
0x47: {  	_ =	swait.ge [sflag:s21], $0x2000  }
0x48: {  	[sflag:s21] =	ssyncset.done $0x0  }
0x49: {  	[sflag:s21] =	ssyncadd.s32 $0xFFFFE000  }
0x4a: {  	[spmem:s18] =	stream.linear.scatter [tilespmem:s20], [sflag:$0x5], $0x2000, $0x200038;
	[tilespmem:$0x1E200] =	vst v63  }
0x4b: {  	_ =	swait.ge [sflag:s21], $0x2000  }
0x4c: {  	[sflag:s21] =	ssyncset.done $0x0  }
0x4d: {  	[sflag:s21] =	ssyncadd.s32 $0xFFFFE000  }
0x4e: {  	[bflag:$0x0] =	sbarrier.arrive $0xFFFF  }
0x4f: {  	_ =	strace $0x9000004B  }
0x50: {  	_ =	strace $0x8000004C  }
0x51: {  	[tilespmem:s3], [sflag:$0x5] =	stream.linear.gather [hbm4b:s5+s3], $0x100, $0x200038;
	[tilespmem:$0x1E200] =	vst v63  }
0x52: {  	_ =	swait.ge [sflag:s21], $0x100  }
0x53: {  	[sflag:s21] =	ssyncset.done $0x0  }
0x54: {  	[sflag:s21] =	ssyncadd.s32 $0xFFFFFF00  }
0x55: {  	[tilespmem:s23], [sflag:$0x1] =	stream.indirect.gather [hbm4b:s4+s22], $0x80, s3, s22, $0x2000b8;
	[tilespmem:$0x1E200] =	vst v63  }
0x56: {  	s7 =	rddreg [dreg:$0x4]  }
0x57: {  	[tilespmem:s24], [sflag:$0x5] =	stream.linear.gather [hbm4b:s7+s3], $0x100, $0x200038;
	[tilespmem:$0x1E200] =	vst v63  }
0x58: {  	_ =	swait.ge [sflag:s21], $0x100  }
0x59: {  	[sflag:s21] =	ssyncset.done $0x0  }
0x5a: {  	[sflag:s21] =	ssyncadd.s32 $0xFFFFFF00  }
0x5b: {  	[tilespmem:s25], [sflag:$0x2] =	stream.indirect.gather [hbm4b:s4+s22], $0x80, s24, s22, $0x2000b8;
	[tilespmem:$0x1E200] =	vst v63  }
0x5c: {  	_ =	swait.ge [sflag:s26], $0x4000  }
0x5d: {  	[sflag:s26] =	ssyncset.done $0x0  }
0x5e: {  	[sflag:s26] =	ssyncadd.s32 $0xFFFFC000  }
0x5f: {  	[spmem:s2] =	stream.indirect.scatter.add.f32 [tilespmem:s23], [sflag:$0x3], $0x80, s22, s22, $0x2000b8;
	[tilespmem:$0x1E200] =	vst v63  }
0x60: {  	_ =	swait.ge [sflag:s28], $0x4000  }
0x61: {  	s8 =	sadd.s32 $0xFFFFF640, s19;
	[sflag:s28] =	ssyncset.done $0x0  }
0x62: {  	s7 =	sadd.s32 $0xA00, s8;
	[sflag:s28] =	ssyncadd.s32 $0xFFFFC000  }
0x63: {  	[tilespmem:s3], [sflag:$0x5] =	stream.linear.gather [hbm4b:s7+s3], $0x100, $0x200038;
	[tilespmem:$0x1E200] =	vst v63  }
0x64: {  	_ =	swait.ge [sflag:s21], $0x100  }
0x65: {  	[sflag:s21] =	ssyncset.done $0x0  }
0x66: {  	[sflag:s21] =	ssyncadd.s32 $0xFFFFFF00  }
0x67: {  	[tilespmem:s23], [sflag:$0x1] =	stream.indirect.gather [hbm4b:s4+s22], $0x80, s3, s22, $0x2000b8;
	[tilespmem:$0x1E200] =	vst v63  }
0x68: {  	_ =	swait.ge [sflag:s29], $0x4000  }
0x69: {  	[sflag:s29] =	ssyncset.done $0x0  }
0x6a: {  	[sflag:s29] =	ssyncadd.s32 $0xFFFFC000  }
0x6b: {  	[spmem:s2] =	stream.indirect.scatter.add.f32 [tilespmem:s25], [sflag:$0x4], $0x80, s30, s22, $0x2000b8;
	[tilespmem:$0x1E200] =	vst v63  }
0x6c: {  	_ =	swait.ge [sflag:s31], $0x4000  }
0x6d: {  	[sflag:s31] =	ssyncset.done $0x0  }
0x6e: {  	s1 =	sadd.s32 $0xA20, s8;
	[sflag:s31] =	ssyncadd.s32 $0xFFFFC000  }
0x6f: {  	[tilespmem:s24], [sflag:$0x5] =	stream.linear.gather [hbm4b:s1+s3], $0x100, $0x200038;
	[tilespmem:$0x1E200] =	vst v63  }
0x70: {  	_ =	swait.ge [sflag:s21], $0x100  }
0x71: {  	[sflag:s21] =	ssyncset.done $0x0  }
0x72: {  	[sflag:s21] =	ssyncadd.s32 $0xFFFFFF00  }
0x73: {  	[tilespmem:s25], [sflag:$0x2] =	stream.indirect.gather [hbm4b:s4+s22], $0x80, s24, s22, $0x2000b8;
	[tilespmem:$0x1E200] =	vst v63  }
0x74: {  	_ =	swait.ge [sflag:s26], $0x4000  }
0x75: {  	[sflag:s26] =	ssyncset.done $0x0  }
0x76: {  	s1 =	simm.s32 $0xFFFFF680;
	[sflag:s26] =	ssyncadd.s32 $0xFFFFC000  }
.LBB2_4:
0x77: {  	[spmem:s2] =	stream.indirect.scatter.add.f32 [tilespmem:s23], [sflag:$0x3], $0x80, s22, s22, $0x2000b8;
	[tilespmem:$0x1E200] =	vst v63  }
0x78: {  	s7 =	smov.u32 s1  }
0x79: {  	p0 =	sne.s32 s1, $0xFFFFFFC0;
	s1 =	sadd.s32 $0x40, s1;
	_ =	swait.ge [sflag:s28], $0x4000  }
0x7a: {  	s7 =	sadd.s32 s7, s19;
	[sflag:s28] =	ssyncset.done $0x0  }
0x7b: {  	s8 =	sadd.s32 $0xA00, s7;
	[sflag:s28] =	ssyncadd.s32 $0xFFFFC000  }
0x7c: {  	[tilespmem:s3], [sflag:$0x5] =	stream.linear.gather [hbm4b:s8+s3], $0x100, $0x200038;
	[tilespmem:$0x1E200] =	vst v63  }
0x7d: {  	_ =	swait.ge [sflag:s21], $0x100  }
0x7e: {  	[sflag:s21] =	ssyncset.done $0x0  }
0x7f: {  	[sflag:s21] =	ssyncadd.s32 $0xFFFFFF00  }
0x80: {  	[tilespmem:s23], [sflag:$0x1] =	stream.indirect.gather [hbm4b:s4+s22], $0x80, s3, s22, $0x2000b8;
	[tilespmem:$0x1E200] =	vst v63  }
0x81: {  	_ =	swait.ge [sflag:s29], $0x4000  }
0x82: {  	[sflag:s29] =	ssyncset.done $0x0  }
0x83: {  	[sflag:s29] =	ssyncadd.s32 $0xFFFFC000  }
0x84: {  	[spmem:s2] =	stream.indirect.scatter.add.f32 [tilespmem:s25], [sflag:$0x4], $0x80, s30, s22, $0x2000b8;
	[tilespmem:$0x1E200] =	vst v63  }
0x85: {  	_ =	swait.ge [sflag:s31], $0x4000  }
0x86: {  	[sflag:s31] =	ssyncset.done $0x0  }
0x87: {  	s7 =	sadd.s32 $0xA20, s7;
	[sflag:s31] =	ssyncadd.s32 $0xFFFFC000  }
0x88: {  	[tilespmem:s24], [sflag:$0x5] =	stream.linear.gather [hbm4b:s7+s3], $0x100, $0x200038;
	[tilespmem:$0x1E200] =	vst v63  }
0x89: {  	_ =	swait.ge [sflag:s21], $0x100  }
0x8a: {  	[sflag:s21] =	ssyncset.done $0x0  }
.Ltmp1:
0x8b: {  	[sflag:s21] =	ssyncadd.s32 $0xFFFFFF00;
	(pc) =	sbr.rel @p0 .LBB2_4-.Ltmp1, $4  }
0x8c: {  	[tilespmem:s25], [sflag:$0x2] =	stream.indirect.gather [hbm4b:s4+s22], $0x80, s24, s22, $0x2000b8;
	[tilespmem:$0x1E200] =	vst v63  }
0x8d: {  	_ =	swait.ge [sflag:s26], $0x4000  }
0x8e: {  	[sflag:s26] =	ssyncset.done $0x0  }
0x8f: {  	[sflag:s26] =	ssyncadd.s32 $0xFFFFC000  }
0x90: {  	[spmem:s2] =	stream.indirect.scatter.add.f32 [tilespmem:s23], [sflag:$0x3], $0x80, s22, s22, $0x2000b8;
	[tilespmem:$0x1E200] =	vst v63  }
0x91: {  	_ =	swait.ge [sflag:s29], $0x4000  }
0x92: {  	[sflag:s29] =	ssyncset.done $0x0  }
0x93: {  	[sflag:s29] =	ssyncadd.s32 $0xFFFFC000  }
0x94: {  	[spmem:s2] =	stream.indirect.scatter.add.f32 [tilespmem:s25], [sflag:$0x4], $0x80, s30, s22, $0x2000b8;
	[tilespmem:$0x1E200] =	vst v63  }
0x95: {  	_ =	swait.ge [sflag:s28], $0x4000  }
0x96: {  	[sflag:s28] =	ssyncset.done $0x0  }
0x97: {  	[sflag:s28] =	ssyncadd.s32 $0xFFFFC000  }
0x98: {  	_ =	swait.ge [sflag:s31], $0x4000  }
0x99: {  	[sflag:s31] =	ssyncset.done $0x0  }
0x9a: {  	[sflag:s31] =	ssyncadd.s32 $0xFFFFC000  }
0x9b: {  	_ =	strace $0x9000004C  }
0x9c: {  	s1 =	stileid.u32;
	s7 =	sshrl.u32 s6, $0x3;
	_ =	strace $0x8000004D  }
0x9d: {  	s0 =	sadd.s32 $0x1, s0;
	s1 =	sshll.u32 s1, $0x6;
	[bflag:$0x0] =	sbarrier.arrive $0xFFFF  }
0x9e: {  	p0 =	sne.s32 s0, s9;
	s1 =	sor.u32 $0x1C05, s1;
	s8 =	rddreg [dreg:$0x5]  }
0x9f: {  	[hbm:s8], [sflag:s1] =	dma.local [spmem:s7], $0x2800  }
.Ltmp2:
0xa0: {  	_ = 	snop;
	(pc) =	sbr.rel @p0 .LBB2_1-.Ltmp2, $4  }
0xa1: {  	_ =	swait.ge [sflag:s21], $0x2800  }
0xa2: {  	[sflag:s21] =	ssyncset.done $0x0  }
0xa3: {  	[sflag:s21] =	ssyncadd.s32 $0xFFFFD800  }
0xa4: {  	_ =	strace $0x9000004D  }
0xa5: {  	_ =	sfence.sel $0x180000  }
0xa6: {  	[bflag:$0x0] =	sbarrier.arrive $0xFFFF  }
0xa7: {  	_ =	strace $0x9000004A  }
0xa8: {  	s0 =	stileid.u32;
	[bflag:$0x2] =	sbarrier.arrive $0xFFFF  }
0xa9: {  	p0 =	sne.s32 s0, $0x0;
	s0 =	rddreg [dreg:$0x3]  }
0xaa: {  	s0 =	sadd.s32 @!p0 $0x100000, s0  }
0xab: {  	[sflag:s0] =	ssyncadd.tile.s32 @!p0 $0x1;
	_ =	shalt  }
.Lfunc_end2:
_tile_overlayer_lowered:
.L_overlay_start_2:
0xac: {  	(tag) =	ssettag $0x2  }
0xad: {  	s0 =	rddreg [dreg:$0x0];
	s2 =	stileid.u32  }
0xae: {  	s1 =	rddreg [dreg:$0x1];
	p0 =	sne.s32 s2, $0x0  }
0xaf: {  	s3 =	rddreg [dreg:$0x2];
	[bflag:$0x3] =	sbarrier.arrive $0xFFFF;
	s2 =	simm.s32 @!p0 $0x1C05  }
0xb0: {  	[timem:s3], [sflag:s2] =	dma.local @!p0 [hbm:s0], s1  }
0xb1: {  	s0 =	simm.s32 @!p0 $0x5  }
0xb2: {  	_ =	swait.ge @!p0 [sflag:s0], s1  }
0xb3: {  	s1 =	ssub.s32 @!p0 $0x0, s1;
	[sflag:s0] =	ssyncset.done @!p0 $0x0  }
0xb4: {  	[sflag:s0] =	ssyncadd.s32 @!p0 s1  }
0xb5: {  	[bflag:$0x3] =	sbarrier.arrive $0xFFFF  }
0xb6: {  	_ =	shalt  }

</sc_bundles>
